<compile_context>
chip_gen: v7x
topology: tpu7x:2x2x1
jax: 0.10.2.dev20260603
libtpu: 0.0.44.dev20260713+nightly
codegen_flags: <defaults>
</compile_context>

<pallas_src>
import functools

import jax
import jax.numpy as jnp
from jax import lax
from jax.experimental import pallas as pl
from jax.experimental.pallas import tpu as pltpu
from jax.experimental.pallas import tpu_sc as plsc

B = 4096
D = 256
K = 8192
CW = 0.25

BT = 512
NB = B // BT
KT = 1024
NK = K // KT

_PREC = lax.Precision.DEFAULT

_NEG_INF = float("-inf")


def _dot(a, b, precision=_PREC):
    return lax.dot_general(a, b, (((1,), (0,)), ((), ())),
                           preferred_element_type=jnp.float32,
                           precision=precision)


def _codebook_body(e0, w0, e1, w1, e2, w2, cb0, cb1, cb2, n0, n1, n2):
    for e, w, cb, n in ((e0, w0, cb0, n0), (e1, w1, cb1, n1), (e2, w2, cb2, n2)):
        c = _dot(e[...], w[...])
        cb[...] = c
        n[0, :] = jnp.sum(c * c, axis=1)


def _codebooks(E0, Wp0, E1, Wp1, E2, Wp2):
    etile = pl.BlockSpec((KT, D), lambda k: (k, 0))
    wfull = pl.BlockSpec((D, D), lambda k: (0, 0))
    ntile = pl.BlockSpec((1, KT), lambda k: (0, k))
    return pl.pallas_call(
        _codebook_body,
        grid=(NK,),
        in_specs=[etile, wfull, etile, wfull, etile, wfull],
        out_specs=[etile, etile, etile, ntile, ntile, ntile],
        out_shape=[jax.ShapeDtypeStruct((K, D), jnp.float32)] * 3
        + [jax.ShapeDtypeStruct((1, K), jnp.float32)] * 3,
    )(E0, Wp0, E1, Wp1, E2, Wp2)


def _encoder_body(x, w1, b1, w2, b2, w3, b3, z):
    h = jax.nn.silu(_dot(x[...], w1[...]) + b1[...])
    h = jax.nn.silu(_dot(h, w2[...]) + b2[...])
    z[...] = _dot(h, w3[...]) + b3[...]


def _encoder(x, We1, be1, We2, be2, We3, be3):
    full = lambda shape: pl.BlockSpec(shape, lambda b: tuple(0 for _ in shape))
    return pl.pallas_call(
        _encoder_body,
        grid=(NB,),
        in_specs=[pl.BlockSpec((BT, 768), lambda b: (b, 0)),
                  full((768, 512)), full((1, 512)),
                  full((512, 256)), full((1, 256)),
                  full((256, 256)), full((1, 256))],
        out_specs=pl.BlockSpec((BT, D), lambda b: (b, 0)),
        out_shape=jax.ShapeDtypeStruct((B, D), jnp.float32),
    )(x, We1, be1.reshape(1, 512), We2, be2.reshape(1, 256),
      We3, be3.reshape(1, 256))


def _dist_body(res_ref, cb_ref, cbn_ref, ids_ref):
    res = res_ref[...]
    rn = jnp.sum(res * res, axis=1, keepdims=True)
    iota = lax.broadcasted_iota(jnp.int32, (BT, KT), 1)
    bestv = jnp.full((BT, 1), jnp.inf, jnp.float32)
    besti = jnp.zeros((BT, 1), jnp.int32)
    for j in range(NK):
        cb = cb_ref[j * KT:(j + 1) * KT, :]
        cbn = cbn_ref[0, j * KT:(j + 1) * KT]
        scores = (rn + cbn[None, :]) - 2.0 * lax.dot_general(
            res, cb, (((1,), (1,)), ((), ())),
            preferred_element_type=jnp.float32, precision=_PREC)
        m = jnp.min(scores, axis=1, keepdims=True)
        idx = jnp.min(jnp.where(scores == m, iota, K), axis=1,
                      keepdims=True) + j * KT
        upd = m < bestv
        bestv = jnp.where(upd, m, bestv)
        besti = jnp.where(upd, idx, besti)
    ids_ref[0, 0, :] = besti[:, 0]


def _dist_argmin(res, cb, cbn):
    ids3 = pl.pallas_call(
        _dist_body,
        grid=(NB,),
        in_specs=[pl.BlockSpec((BT, D), lambda b: (b, 0)),
                  pl.BlockSpec((K, D), lambda b: (0, 0)),
                  pl.BlockSpec((1, K), lambda b: (0, 0))],
        out_specs=pl.BlockSpec((1, 1, BT), lambda b: (b, 0, 0)),
        out_shape=jax.ShapeDtypeStruct((NB, 1, BT), jnp.int32),
    )(res, cb, cbn)
    return ids3.reshape(B)


@functools.lru_cache(maxsize=None)
def _sc_gather_fn():
    info = plsc.get_sparse_core_info()
    nw = info.num_cores * info.num_subcores
    bpw = B // nw
    mesh = plsc.VectorSubcoreMesh(core_axis_name="c", subcore_axis_name="s")

    @functools.partial(
        pl.kernel, mesh=mesh,
        out_type=jax.ShapeDtypeStruct((B, D), jnp.float32),
        scratch_types=[pltpu.VMEM((bpw,), jnp.int32),
                       pltpu.VMEM((bpw, D), jnp.float32),
                       pltpu.SemaphoreType.DMA],
    )
    def gather(table_hbm, idx_hbm, out_hbm, idx_v, rows_v, sem):
        wid = lax.axis_index("s") * info.num_cores + lax.axis_index("c")
        base = wid * bpw
        pltpu.sync_copy(idx_hbm.at[pl.ds(base, bpw)], idx_v)
        pltpu.async_copy(table_hbm.at[idx_v], rows_v, sem).wait()
        pltpu.sync_copy(rows_v, out_hbm.at[pl.ds(base, bpw)])

    return gather


def _sc_gather(table, idx):
    return _sc_gather_fn()(table, idx)


def _update_body(res_ref, emb_ref, out_ref, loss_ref):
    diff = res_ref[...] - emb_ref[...]
    out_ref[...] = diff
    s = jnp.sum(diff * diff, axis=1)
    loss_ref[0, 0, :] = s + CW * s


def _update(res, emb):
    res_next, loss3 = pl.pallas_call(
        _update_body,
        grid=(NB,),
        in_specs=[pl.BlockSpec((BT, D), lambda b: (b, 0)),
                  pl.BlockSpec((BT, D), lambda b: (b, 0))],
        out_specs=[pl.BlockSpec((BT, D), lambda b: (b, 0)),
                   pl.BlockSpec((1, 1, BT), lambda b: (b, 0, 0))],
        out_shape=[jax.ShapeDtypeStruct((B, D), jnp.float32),
                   jax.ShapeDtypeStruct((NB, 1, BT), jnp.float32)],
    )(res, emb)
    return res_next, loss3


def _decoder_body(x, e0, e1, e2, l0, l1, l2, w1, b1, w2, b2, w3, b3,
                  norms, recon, qsum):
    h = e0[...] + e1[...] + e2[...]
    h1 = jax.nn.silu(_dot(h, w1[...], precision=lax.Precision.HIGHEST) + b1[...])
    h2 = jax.nn.silu(_dot(h1, w2[...], precision=lax.Precision.HIGHEST) + b2[...])
    y = jax.nn.sigmoid(_dot(h2, w3[...], precision=lax.Precision.HIGHEST) + b3[...])
    nrm = jnp.sqrt(jnp.sum(y * y, axis=1, keepdims=True))
    y = y / jnp.maximum(nrm, 1e-12)
    d = y - x[...]
    recon[0, 0, :] = jnp.full((128,), jnp.sum(d * d))
    qsum[0, 0, :] = jnp.full((128,), jnp.sum(l0[0, 0, :] + l1[0, 0, :] + l2[0, 0, :]))
    for i, e in enumerate((e0, e1, e2)):
        ev = e[...]
        norms[0, i, :] = jnp.sqrt(jnp.sum(ev * ev, axis=1))


def _decoder(x, e0, e1, e2, l0, l1, l2, Wd1, bd1, Wd2, bd2, Wd3, bd3):
    bt = pl.BlockSpec((BT, D), lambda b: (b, 0))
    lt = pl.BlockSpec((1, 1, BT), lambda b: (b, 0, 0))
    full = lambda shape: pl.BlockSpec(shape, lambda b: tuple(0 for _ in shape))
    return pl.pallas_call(
        _decoder_body,
        grid=(NB,),
        in_specs=[pl.BlockSpec((BT, 768), lambda b: (b, 0)),
                  bt, bt, bt, lt, lt, lt,
                  full((256, 256)), full((1, 256)),
                  full((256, 512)), full((1, 512)),
                  full((512, 768)), full((1, 768))],
        out_specs=[pl.BlockSpec((1, 3, BT), lambda b: (b, 0, 0)),
                   pl.BlockSpec((1, 1, 128), lambda b: (b, 0, 0)),
                   pl.BlockSpec((1, 1, 128), lambda b: (b, 0, 0))],
        out_shape=[jax.ShapeDtypeStruct((NB, 3, BT), jnp.float32),
                   jax.ShapeDtypeStruct((NB, 1, 128), jnp.float32),
                   jax.ShapeDtypeStruct((NB, 1, 128), jnp.float32)],
    )(x, e0, e1, e2, l0, l1, l2,
      Wd1, bd1.reshape(1, 256), Wd2, bd2.reshape(1, 512),
      Wd3, bd3.reshape(1, 768))


PT = 256
NP = B // PT


def _punique_body(c0, c1, c2, r0, r1, r2, cnt):
    b = pl.program_id(0)
    row = lax.broadcasted_iota(jnp.int32, (PT, B), 0) + b * PT
    col = lax.broadcasted_iota(jnp.int32, (PT, B), 1)
    eq = ((c0[...] == r0[...]) & (c1[...] == r1[...]) & (c2[...] == r2[...])
          & (col > row))
    has_later = jnp.any(eq, axis=1)
    cnt[0, 0, :] = jnp.full((128,), jnp.sum(has_later.astype(jnp.int32)))


def _punique(ids0, ids1, ids2):
    colspec = pl.BlockSpec((PT, 1), lambda b: (b, 0))
    rowspec = pl.BlockSpec((1, B), lambda b: (0, 0))
    cnts = pl.pallas_call(
        _punique_body,
        grid=(NP,),
        in_specs=[colspec, colspec, colspec, rowspec, rowspec, rowspec],
        out_specs=pl.BlockSpec((1, 1, 128), lambda b: (b, 0, 0)),
        out_shape=jax.ShapeDtypeStruct((NP, 1, 128), jnp.int32),
    )(ids0.reshape(B, 1), ids1.reshape(B, 1), ids2.reshape(B, 1),
      ids0.reshape(1, B), ids1.reshape(1, B), ids2.reshape(1, B))
    dup = jnp.sum(cnts[:, 0, 0])
    return (B - dup) / B


def kernel(x, We1, be1, We2, be2, We3, be3, Wd1, bd1, Wd2, bd2, Wd3, bd3,
           E0, Wp0, E1, Wp1, E2, Wp2):
    cb0, cb1, cb2, n0, n1, n2 = _codebooks(E0, Wp0, E1, Wp1, E2, Wp2)
    res = _encoder(x, We1, be1, We2, be2, We3, be3)
    ids, embs, losses = [], [], []
    for cb, cbn in ((cb0, n0), (cb1, n1), (cb2, n2)):
        i = _dist_argmin(res, cb, cbn)
        e = _sc_gather(cb, i)
        res, l = _update(res, e)
        ids.append(i)
        embs.append(e)
        losses.append(l)
    norms, recon_p, qsum_p = _decoder(
        x, embs[0], embs[1], embs[2], losses[0], losses[1], losses[2],
        Wd1, bd1, Wd2, bd2, Wd3, bd3)
    recon = jnp.sum(recon_p[:, 0, 0])
    qmean = jnp.sum(qsum_p[:, 0, 0]) / B
    total = recon + qmean
    embs_norm = norms.transpose(0, 2, 1).reshape(B, 3)
    p_unique = _punique(ids[0], ids[1], ids[2])
    return total, recon, qmean, embs_norm, p_unique

# --- scband reference (transcript-rebuilt; emitter-appended) ---
"""Pipeline reference for scband-rq-vae-66760971649618 (READ-ONLY COPY).

The authoritative reference and input builder live on the scoring server;
editing this copy changes nothing except your own understanding.
"""

import jax, jax.numpy as jnp
import numpy as np

B = 4096
INPUT_DIM = 768
LATENT = 256
K = 8192
CW = 0.25


def _lin_init(key, fan_in, fan_out):
    bound = 1.0 / np.sqrt(fan_in)
    kw, kb = jax.random.split(key)
    W = jax.random.uniform(kw, (fan_in, fan_out), minval=-bound, maxval=bound, dtype=jnp.float32)
    b = jax.random.uniform(kb, (fan_out,), minval=-bound, maxval=bound, dtype=jnp.float32)
    return W, b


def setup_inputs(seed=0) -> dict:
    key = jax.random.key(seed)
    ks = jax.random.split(key, 16)
    inp = {}
    inp["x"] = jax.random.normal(ks[0], (B, INPUT_DIM), dtype=jnp.float32)
    inp["We1"], inp["be1"] = _lin_init(ks[1], 768, 512)
    inp["We2"], inp["be2"] = _lin_init(ks[2], 512, 256)
    inp["We3"], inp["be3"] = _lin_init(ks[3], 256, 256)
    inp["Wd1"], inp["bd1"] = _lin_init(ks[4], 256, 256)
    inp["Wd2"], inp["bd2"] = _lin_init(ks[5], 256, 512)
    inp["Wd3"], inp["bd3"] = _lin_init(ks[6], 512, 768)
    for i in range(3):
        inp["E%d" % i] = jax.random.normal(ks[7 + 2 * i], (K, LATENT), dtype=jnp.float32)
        inp["Wp%d" % i] = _lin_init(ks[8 + 2 * i], LATENT, LATENT)[0]
    return inp


def _quant(res, E, Wp):
    codebook = E @ Wp  # out_proj(embedding.weight), sim_vq linear (no bias)
    dist = (res ** 2).sum(axis=1, keepdims=True) + (codebook ** 2).sum(axis=1)[None, :] - 2.0 * (res @ codebook.T)
    ids = jnp.argmin(jax.lax.stop_gradient(dist), axis=1)
    emb = jnp.take(codebook, ids, axis=0)
    emb_out = res + jax.lax.stop_gradient(emb - res)
    emb_loss = ((jax.lax.stop_gradient(res) - emb) ** 2).sum(axis=-1)
    query_loss = ((res - jax.lax.stop_gradient(emb)) ** 2).sum(axis=-1)
    loss = emb_loss + CW * query_loss
    return emb_out, ids, loss


def _forward(x, We1, be1, We2, be2, We3, be3, Wd1, bd1, Wd2, bd2, Wd3, bd3, E0, Wp0, E1, Wp1, E2, Wp2):
    # Encoder
    z = jax.nn.silu(x @ We1 + be1)
    z = jax.nn.silu(z @ We2 + be2)
    z = z @ We3 + be3
    # Residual quantization over 3 layers
    res = z
    qloss = 0.0
    embs = []
    sem_ids = []
    for E, Wp in ((E0, Wp0), (E1, Wp1), (E2, Wp2)):
        emb_out, ids, loss = _quant(res, E, Wp)
        qloss = qloss + loss
        res = res - emb_out
        embs.append(emb_out)
        sem_ids.append(ids)
    embs_t = jnp.stack(embs, axis=-1)  # rearrange 'b h d -> h d b' -> [batch, latent, n_layers]
    sem = jnp.stack(sem_ids, axis=-1)  # rearrange 'b d -> d b' -> [batch, n_layers]
    # Decoder
    h = embs_t.sum(axis=-1)
    h = jax.nn.silu(h @ Wd1 + bd1)
    h = jax.nn.silu(h @ Wd2 + bd2)
    x_hat = jax.nn.sigmoid(h @ Wd3 + bd3)
    # F.normalize(p=2, dim=1)
    x_hat = x_hat / jnp.maximum(jnp.linalg.norm(x_hat, axis=1, keepdims=True), 1e-12)
    recon = ((x_hat - x) ** 2).sum()
    total = (recon + qloss).mean()
    embs_norm = jnp.linalg.norm(embs_t, axis=1)
    eq = (sem[:, None, :] == sem[None, :, :]).all(axis=-1)
    triu = jnp.triu(eq, k=1)
    p_unique = (~triu).all(axis=1).sum() / sem.shape[0]
    return total, recon, qloss.mean(), embs_norm, p_unique


def reference(x, We1, be1, We2, be2, We3, be3, Wd1, bd1, Wd2, bd2, Wd3, bd3, E0, Wp0, E1, Wp1, E2, Wp2):
    return _forward(x, We1, be1, We2, be2, We3, be3, Wd1, bd1, Wd2, bd2, Wd3, bd3, E0, Wp0, E1, Wp1, E2, Wp2)

if __name__ == "__main__":
    import jax
    _d = setup_inputs()
    print(jax.jit(kernel)(*tuple(_d.values())))

</pallas_src>

<mosaic_0001>
#map = affine_map<(d0, d1) -> (0, 0)>
#map1 = affine_map<(d0, d1) -> (0)>
module attributes {stable_mosaic.version = 14 : i64} {
  func.func @gather(%arg0: i32, %arg1: i32, %arg2: memref<8192x256xf32, #tpu.memory_space<hbm>>, %arg3: memref<4096xi32, #tpu.memory_space<hbm>>, %arg4: memref<4096x256xf32, #tpu.memory_space<hbm>>, %arg5: memref<128xi32, #tpu.memory_space<vmem>>, %arg6: memref<128x256xf32, #tpu.memory_space<vmem>>, %arg7: memref<!tpu.dma_semaphore, #tpu.memory_space<semaphore_mem>>) attributes {dimension_semantics = [#tpu.dimension_semantics<core_parallel>, #tpu.dimension_semantics<subcore_parallel>], iteration_bounds = array<i64: 2, 16>, scalar_prefetch = 0 : i64, scratch_operands = 3 : i64, tpu.core_type = #tpu.core_type<sc_vector_subcore>, window_params = [{transform_indices = #map}, {transform_indices = #map1}, {transform_indices = #map}]} {
    %mul3A = arith.constant 2 : i32
    %mul3A_0 = arith.muli %arg1, %mul3A : i32
    %add3A = arith.addi %mul3A_0, %arg0 : i32
    %mul3A_1 = arith.constant 128 : i32
    %mul3A_2 = arith.muli %add3A, %mul3A_1 : i32
    "tpu.region"() ({
      %run_scoped3A = tpu.sem_alloc : memref<!tpu.dma_semaphore, #tpu.memory_space<semaphore_mem>>
      %dma_start3A_7 = tpu.memref_slice %arg3[%mul3A_2] : memref<4096xi32, #tpu.memory_space<hbm>> -> memref<128xi32, #tpu.memory_space<hbm>>
      %dma_start3A_8 = tpu.memref_slice %arg3[%mul3A_2] : memref<4096xi32, #tpu.memory_space<hbm>> -> memref<128xi32, #tpu.memory_space<hbm>>
      tpu.enqueue_dma source(%dma_start3A_8 : memref<128xi32, #tpu.memory_space<hbm>>) target(%arg5 : memref<128xi32, #tpu.memory_space<vmem>>) target_semaphore(%run_scoped3A : memref<!tpu.dma_semaphore, #tpu.memory_space<semaphore_mem>>)
      %dma_wait3A_9 = tpu.memref_slice %arg3[%mul3A_2] : memref<4096xi32, #tpu.memory_space<hbm>> -> memref<128xi32, #tpu.memory_space<hbm>>
      %dma_wait3A_10 = tpu.memref_slice %arg3[%mul3A_2] : memref<4096xi32, #tpu.memory_space<hbm>> -> memref<128xi32, #tpu.memory_space<hbm>>
      tpu.wait_dma2 semaphore(%run_scoped3A : memref<!tpu.dma_semaphore, #tpu.memory_space<semaphore_mem>>) src(%dma_wait3A_10 : memref<128xi32, #tpu.memory_space<hbm>>) dst(%arg5 : memref<128xi32, #tpu.memory_space<vmem>>)
      tpu.yield
    }) : () -> ()
    %dma_start3A = arith.constant 0 : i32
    %dma_start3A_3 = arith.constant 0 : i32
    %dma_start3A_4 = tpu.memref_slice %arg2[%dma_start3A, %dma_start3A_3] : memref<8192x256xf32, #tpu.memory_space<hbm>> -> memref<8192x256xf32, #tpu.memory_space<hbm>>
    tpu.enqueue_indirect_dma source(%dma_start3A_4 : memref<8192x256xf32, #tpu.memory_space<hbm>>) target(%arg6 : memref<128x256xf32, #tpu.memory_space<vmem>>) offsets(%arg5 : memref<128xi32, #tpu.memory_space<vmem>>) semaphore(%arg7 : memref<!tpu.dma_semaphore, #tpu.memory_space<semaphore_mem>>)
    %dma_wait3A = arith.constant 0 : i32
    %dma_wait3A_5 = arith.constant 0 : i32
    %dma_wait3A_6 = tpu.memref_slice %arg2[%dma_wait3A, %dma_wait3A_5] : memref<8192x256xf32, #tpu.memory_space<hbm>> -> memref<8192x256xf32, #tpu.memory_space<hbm>>
    tpu.wait_indirect_dma semaphore(%arg7 : memref<!tpu.dma_semaphore, #tpu.memory_space<semaphore_mem>>) src(%dma_wait3A_6 : memref<8192x256xf32, #tpu.memory_space<hbm>>) dst(%arg6 : memref<128x256xf32, #tpu.memory_space<vmem>>)
    "tpu.region"() ({
      %run_scoped3A = tpu.sem_alloc : memref<!tpu.dma_semaphore, #tpu.memory_space<semaphore_mem>>
      %dma_start3A_7 = arith.constant 0 : i32
      %dma_start3A_8 = tpu.memref_slice %arg4[%mul3A_2, %dma_start3A_7] : memref<4096x256xf32, #tpu.memory_space<hbm>> -> memref<128x256xf32, #tpu.memory_space<hbm>>
      %dma_start3A_9 = arith.constant 0 : i32
      %dma_start3A_10 = tpu.memref_slice %arg4[%mul3A_2, %dma_start3A_9] : memref<4096x256xf32, #tpu.memory_space<hbm>> -> memref<128x256xf32, #tpu.memory_space<hbm>>
      tpu.enqueue_dma source(%arg6 : memref<128x256xf32, #tpu.memory_space<vmem>>) target(%dma_start3A_10 : memref<128x256xf32, #tpu.memory_space<hbm>>) target_semaphore(%run_scoped3A : memref<!tpu.dma_semaphore, #tpu.memory_space<semaphore_mem>>)
      %dma_wait3A_11 = arith.constant 0 : i32
      %dma_wait3A_12 = tpu.memref_slice %arg4[%mul3A_2, %dma_wait3A_11] : memref<4096x256xf32, #tpu.memory_space<hbm>> -> memref<128x256xf32, #tpu.memory_space<hbm>>
      %dma_wait3A_13 = arith.constant 0 : i32
      %dma_wait3A_14 = tpu.memref_slice %arg4[%mul3A_2, %dma_wait3A_13] : memref<4096x256xf32, #tpu.memory_space<hbm>> -> memref<128x256xf32, #tpu.memory_space<hbm>>
      tpu.wait_dma2 semaphore(%run_scoped3A : memref<!tpu.dma_semaphore, #tpu.memory_space<semaphore_mem>>) src(%arg6 : memref<128x256xf32, #tpu.memory_space<vmem>>) dst(%dma_wait3A_14 : memref<128x256xf32, #tpu.memory_space<hbm>>)
      tpu.yield
    }) : () -> ()
    return
  }
}

#map = affine_map<(d0, d1) -> (0, 0)>
#map1 = affine_map<(d0, d1) -> (0)>
module attributes {stable_mosaic.version = 14 : i64} {
  func.func @gather(%arg0: i32, %arg1: i32, %arg2: memref<8192x256xf32, #tpu.memory_space<hbm>>, %arg3: memref<4096xi32, #tpu.memory_space<hbm>>, %arg4: memref<4096x256xf32, #tpu.memory_space<hbm>>, %arg5: memref<128xi32, #tpu.memory_space<vmem>>, %arg6: memref<128x256xf32, #tpu.memory_space<vmem>>, %arg7: memref<!tpu.dma_semaphore, #tpu.memory_space<semaphore_mem>>) attributes {dimension_semantics = [#tpu.dimension_semantics<core_parallel>, #tpu.dimension_semantics<subcore_parallel>], iteration_bounds = array<i64: 2, 16>, scalar_prefetch = 0 : i64, scratch_operands = 3 : i64, tpu.core_type = #tpu.core_type<sc_vector_subcore>, window_params = [{transform_indices = #map}, {transform_indices = #map1}, {transform_indices = #map}]} {
    %mul3A = arith.constant 2 : i32
    %mul3A_0 = arith.muli %arg1, %mul3A : i32
    %add3A = arith.addi %mul3A_0, %arg0 : i32
    %mul3A_1 = arith.constant 128 : i32
    %mul3A_2 = arith.muli %add3A, %mul3A_1 : i32
    "tpu.region"() ({
      %run_scoped3A = tpu.sem_alloc : memref<!tpu.dma_semaphore, #tpu.memory_space<semaphore_mem>>
      %dma_start3A_7 = tpu.memref_slice %arg3[%mul3A_2] : memref<4096xi32, #tpu.memory_space<hbm>> -> memref<128xi32, #tpu.memory_space<hbm>>
      %dma_start3A_8 = tpu.memref_slice %arg3[%mul3A_2] : memref<4096xi32, #tpu.memory_space<hbm>> -> memref<128xi32, #tpu.memory_space<hbm>>
      tpu.enqueue_dma source(%dma_start3A_8 : memref<128xi32, #tpu.memory_space<hbm>>) target(%arg5 : memref<128xi32, #tpu.memory_space<vmem>>) target_semaphore(%run_scoped3A : memref<!tpu.dma_semaphore, #tpu.memory_space<semaphore_mem>>)
      %dma_wait3A_9 = tpu.memref_slice %arg3[%mul3A_2] : memref<4096xi32, #tpu.memory_space<hbm>> -> memref<128xi32, #tpu.memory_space<hbm>>
      %dma_wait3A_10 = tpu.memref_slice %arg3[%mul3A_2] : memref<4096xi32, #tpu.memory_space<hbm>> -> memref<128xi32, #tpu.memory_space<hbm>>
      tpu.wait_dma2 semaphore(%run_scoped3A : memref<!tpu.dma_semaphore, #tpu.memory_space<semaphore_mem>>) src(%dma_wait3A_10 : memref<128xi32, #tpu.memory_space<hbm>>) dst(%arg5 : memref<128xi32, #tpu.memory_space<vmem>>)
      tpu.yield
    }) : () -> ()
    %dma_start3A = arith.constant 0 : i32
    %dma_start3A_3 = arith.constant 0 : i32
    %dma_start3A_4 = tpu.memref_slice %arg2[%dma_start3A, %dma_start3A_3] : memref<8192x256xf32, #tpu.memory_space<hbm>> -> memref<8192x256xf32, #tpu.memory_space<hbm>>
    tpu.enqueue_indirect_dma source(%dma_start3A_4 : memref<8192x256xf32, #tpu.memory_space<hbm>>) target(%arg6 : memref<128x256xf32, #tpu.memory_space<vmem>>) offsets(%arg5 : memref<128xi32, #tpu.memory_space<vmem>>) semaphore(%arg7 : memref<!tpu.dma_semaphore, #tpu.memory_space<semaphore_mem>>)
    %dma_wait3A = arith.constant 0 : i32
    %dma_wait3A_5 = arith.constant 0 : i32
    %dma_wait3A_6 = tpu.memref_slice %arg2[%dma_wait3A, %dma_wait3A_5] : memref<8192x256xf32, #tpu.memory_space<hbm>> -> memref<8192x256xf32, #tpu.memory_space<hbm>>
    tpu.wait_indirect_dma semaphore(%arg7 : memref<!tpu.dma_semaphore, #tpu.memory_space<semaphore_mem>>) src(%dma_wait3A_6 : memref<8192x256xf32, #tpu.memory_space<hbm>>) dst(%arg6 : memref<128x256xf32, #tpu.memory_space<vmem>>)
    "tpu.region"() ({
      %run_scoped3A = tpu.sem_alloc : memref<!tpu.dma_semaphore, #tpu.memory_space<semaphore_mem>>
      %dma_start3A_7 = arith.constant 0 : i32
      %dma_start3A_8 = tpu.memref_slice %arg4[%mul3A_2, %dma_start3A_7] : memref<4096x256xf32, #tpu.memory_space<hbm>> -> memref<128x256xf32, #tpu.memory_space<hbm>>
      %dma_start3A_9 = arith.constant 0 : i32
      %dma_start3A_10 = tpu.memref_slice %arg4[%mul3A_2, %dma_start3A_9] : memref<4096x256xf32, #tpu.memory_space<hbm>> -> memref<128x256xf32, #tpu.memory_space<hbm>>
      tpu.enqueue_dma source(%arg6 : memref<128x256xf32, #tpu.memory_space<vmem>>) target(%dma_start3A_10 : memref<128x256xf32, #tpu.memory_space<hbm>>) target_semaphore(%run_scoped3A : memref<!tpu.dma_semaphore, #tpu.memory_space<semaphore_mem>>)
      %dma_wait3A_11 = arith.constant 0 : i32
      %dma_wait3A_12 = tpu.memref_slice %arg4[%mul3A_2, %dma_wait3A_11] : memref<4096x256xf32, #tpu.memory_space<hbm>> -> memref<128x256xf32, #tpu.memory_space<hbm>>
      %dma_wait3A_13 = arith.constant 0 : i32
      %dma_wait3A_14 = tpu.memref_slice %arg4[%mul3A_2, %dma_wait3A_13] : memref<4096x256xf32, #tpu.memory_space<hbm>> -> memref<128x256xf32, #tpu.memory_space<hbm>>
      tpu.wait_dma2 semaphore(%run_scoped3A : memref<!tpu.dma_semaphore, #tpu.memory_space<semaphore_mem>>) src(%arg6 : memref<128x256xf32, #tpu.memory_space<vmem>>) dst(%dma_wait3A_14 : memref<128x256xf32, #tpu.memory_space<hbm>>)
      tpu.yield
    }) : () -> ()
    return
  }
}

#map = affine_map<(d0, d1) -> (0, 0)>
#map1 = affine_map<(d0, d1) -> (0)>
module attributes {stable_mosaic.version = 14 : i64} {
  func.func @gather(%arg0: i32, %arg1: i32, %arg2: memref<8192x256xf32, #tpu.memory_space<hbm>>, %arg3: memref<4096xi32, #tpu.memory_space<hbm>>, %arg4: memref<4096x256xf32, #tpu.memory_space<hbm>>, %arg5: memref<128xi32, #tpu.memory_space<vmem>>, %arg6: memref<128x256xf32, #tpu.memory_space<vmem>>, %arg7: memref<!tpu.dma_semaphore, #tpu.memory_space<semaphore_mem>>) attributes {dimension_semantics = [#tpu.dimension_semantics<core_parallel>, #tpu.dimension_semantics<subcore_parallel>], iteration_bounds = array<i64: 2, 16>, scalar_prefetch = 0 : i64, scratch_operands = 3 : i64, tpu.core_type = #tpu.core_type<sc_vector_subcore>, window_params = [{transform_indices = #map}, {transform_indices = #map1}, {transform_indices = #map}]} {
    %mul3A = arith.constant 2 : i32
    %mul3A_0 = arith.muli %arg1, %mul3A : i32
    %add3A = arith.addi %mul3A_0, %arg0 : i32
    %mul3A_1 = arith.constant 128 : i32
    %mul3A_2 = arith.muli %add3A, %mul3A_1 : i32
    "tpu.region"() ({
      %run_scoped3A = tpu.sem_alloc : memref<!tpu.dma_semaphore, #tpu.memory_space<semaphore_mem>>
      %dma_start3A_7 = tpu.memref_slice %arg3[%mul3A_2] : memref<4096xi32, #tpu.memory_space<hbm>> -> memref<128xi32, #tpu.memory_space<hbm>>
      %dma_start3A_8 = tpu.memref_slice %arg3[%mul3A_2] : memref<4096xi32, #tpu.memory_space<hbm>> -> memref<128xi32, #tpu.memory_space<hbm>>
      tpu.enqueue_dma source(%dma_start3A_8 : memref<128xi32, #tpu.memory_space<hbm>>) target(%arg5 : memref<128xi32, #tpu.memory_space<vmem>>) target_semaphore(%run_scoped3A : memref<!tpu.dma_semaphore, #tpu.memory_space<semaphore_mem>>)
      %dma_wait3A_9 = tpu.memref_slice %arg3[%mul3A_2] : memref<4096xi32, #tpu.memory_space<hbm>> -> memref<128xi32, #tpu.memory_space<hbm>>
      %dma_wait3A_10 = tpu.memref_slice %arg3[%mul3A_2] : memref<4096xi32, #tpu.memory_space<hbm>> -> memref<128xi32, #tpu.memory_space<hbm>>
      tpu.wait_dma2 semaphore(%run_scoped3A : memref<!tpu.dma_semaphore, #tpu.memory_space<semaphore_mem>>) src(%dma_wait3A_10 : memref<128xi32, #tpu.memory_space<hbm>>) dst(%arg5 : memref<128xi32, #tpu.memory_space<vmem>>)
      tpu.yield
    }) : () -> ()
    %dma_start3A = arith.constant 0 : i32
    %dma_start3A_3 = arith.constant 0 : i32
    %dma_start3A_4 = tpu.memref_slice %arg2[%dma_start3A, %dma_start3A_3] : memref<8192x256xf32, #tpu.memory_space<hbm>> -> memref<8192x256xf32, #tpu.memory_space<hbm>>
    tpu.enqueue_indirect_dma source(%dma_start3A_4 : memref<8192x256xf32, #tpu.memory_space<hbm>>) target(%arg6 : memref<128x256xf32, #tpu.memory_space<vmem>>) offsets(%arg5 : memref<128xi32, #tpu.memory_space<vmem>>) semaphore(%arg7 : memref<!tpu.dma_semaphore, #tpu.memory_space<semaphore_mem>>)
    %dma_wait3A = arith.constant 0 : i32
    %dma_wait3A_5 = arith.constant 0 : i32
    %dma_wait3A_6 = tpu.memref_slice %arg2[%dma_wait3A, %dma_wait3A_5] : memref<8192x256xf32, #tpu.memory_space<hbm>> -> memref<8192x256xf32, #tpu.memory_space<hbm>>
    tpu.wait_indirect_dma semaphore(%arg7 : memref<!tpu.dma_semaphore, #tpu.memory_space<semaphore_mem>>) src(%dma_wait3A_6 : memref<8192x256xf32, #tpu.memory_space<hbm>>) dst(%arg6 : memref<128x256xf32, #tpu.memory_space<vmem>>)
    "tpu.region"() ({
      %run_scoped3A = tpu.sem_alloc : memref<!tpu.dma_semaphore, #tpu.memory_space<semaphore_mem>>
      %dma_start3A_7 = arith.constant 0 : i32
      %dma_start3A_8 = tpu.memref_slice %arg4[%mul3A_2, %dma_start3A_7] : memref<4096x256xf32, #tpu.memory_space<hbm>> -> memref<128x256xf32, #tpu.memory_space<hbm>>
      %dma_start3A_9 = arith.constant 0 : i32
      %dma_start3A_10 = tpu.memref_slice %arg4[%mul3A_2, %dma_start3A_9] : memref<4096x256xf32, #tpu.memory_space<hbm>> -> memref<128x256xf32, #tpu.memory_space<hbm>>
      tpu.enqueue_dma source(%arg6 : memref<128x256xf32, #tpu.memory_space<vmem>>) target(%dma_start3A_10 : memref<128x256xf32, #tpu.memory_space<hbm>>) target_semaphore(%run_scoped3A : memref<!tpu.dma_semaphore, #tpu.memory_space<semaphore_mem>>)
      %dma_wait3A_11 = arith.constant 0 : i32
      %dma_wait3A_12 = tpu.memref_slice %arg4[%mul3A_2, %dma_wait3A_11] : memref<4096x256xf32, #tpu.memory_space<hbm>> -> memref<128x256xf32, #tpu.memory_space<hbm>>
      %dma_wait3A_13 = arith.constant 0 : i32
      %dma_wait3A_14 = tpu.memref_slice %arg4[%mul3A_2, %dma_wait3A_13] : memref<4096x256xf32, #tpu.memory_space<hbm>> -> memref<128x256xf32, #tpu.memory_space<hbm>>
      tpu.wait_dma2 semaphore(%run_scoped3A : memref<!tpu.dma_semaphore, #tpu.memory_space<semaphore_mem>>) src(%arg6 : memref<128x256xf32, #tpu.memory_space<vmem>>) dst(%dma_wait3A_14 : memref<128x256xf32, #tpu.memory_space<hbm>>)
      tpu.yield
    }) : () -> ()
    return
  }
}

module attributes {stable_mosaic.version = 14 : i64} {
  func.func @_update_body(%arg0: i32, %arg1: memref<512x256xf32, #tpu.memory_space<vmem>>, %arg2: memref<512x256xf32, #tpu.memory_space<vmem>>, %arg3: memref<512x256xf32, #tpu.memory_space<vmem>>, %arg4: memref<1x1x512xf32, #tpu.memory_space<vmem>>) attributes {dimension_semantics = [#tpu.dimension_semantics<arbitrary>], iteration_bounds = array<i64: 8>, scalar_prefetch = 0 : i64, scratch_operands = 0 : i64, tpu.core_type = #tpu.core_type<tc>, window_params = [{transform_indices = @transform_0, window_bounds = array<i64: 512, 256>}, {transform_indices = @transform_1, window_bounds = array<i64: 512, 256>}, {transform_indices = @transform_2, window_bounds = array<i64: 512, 256>}, {transform_indices = @transform_3, window_bounds = array<i64: 1, 1, 512>}]} {
    %get3A = arith.constant 0 : index
    %get3A_0 = arith.constant 0 : index
    %get3A_1 = vector.load %arg1[%get3A, %get3A_0] : memref<512x256xf32, #tpu.memory_space<vmem>>, vector<512x256xf32>
    %get3A_2 = arith.constant 0 : index
    %get3A_3 = arith.constant 0 : index
    %get3A_4 = vector.load %arg2[%get3A_2, %get3A_3] : memref<512x256xf32, #tpu.memory_space<vmem>>, vector<512x256xf32>
    %sub3A = arith.subf %get3A_1, %get3A_4 : vector<512x256xf32>
    %swap3A = arith.constant 0 : index
    %swap3A_5 = arith.constant 0 : index
    %swap3A_6 = vector.load %arg3[%swap3A, %swap3A_5] : memref<512x256xf32, #tpu.memory_space<vmem>>, vector<512x256xf32>
    tpu.vector_store %arg3[%swap3A, %swap3A_5], %sub3A {strides = array<i32>} : memref<512x256xf32, #tpu.memory_space<vmem>>, vector<512x256xf32>,
    %mul3A = arith.mulf %sub3A, %sub3A : vector<512x256xf32>
    %reduce_sum3A = arith.constant dense<0.000000e+00> : vector<512xf32>
    %reduce_sum3A_7 = vector.multi_reduction <add>, %mul3A, %reduce_sum3A [1] : vector<512x256xf32> to vector<512xf32>
    %mul3A_8 = arith.constant 2.500000e-01 : f32
    %mul3A_9 = vector.broadcast %mul3A_8 : f32 to vector<512xf32>
    %mul3A_10 = arith.mulf %mul3A_9, %reduce_sum3A_7 : vector<512xf32>
    %add3A = arith.addf %reduce_sum3A_7, %mul3A_10 : vector<512xf32>
    %swap3A_11 = arith.constant 0 : index
    %swap3A_12 = arith.constant 0 : index
    %swap3A_13 = arith.constant 0 : index
    %swap3A_14 = vector.load %arg4[%swap3A_11, %swap3A_12, %swap3A_13] : memref<1x1x512xf32, #tpu.memory_space<vmem>>, vector<1x1x512xf32>
    %swap3A_15 = vector.shape_cast %swap3A_14 : vector<1x1x512xf32> to vector<512xf32>
    %swap3A_16 = vector.shape_cast %add3A : vector<512xf32> to vector<1x1x512xf32>
    tpu.vector_store %arg4[%swap3A_11, %swap3A_12, %swap3A_13], %swap3A_16 {strides = array<i32>} : memref<1x1x512xf32, #tpu.memory_space<vmem>>, vector<1x1x512xf32>,
    return
  }
  func.func @transform_0(%arg0: i32) -> (i32, i32) {
    %c0_i32 = arith.constant 0 : i32
    %c0_i32_0 = arith.constant 0 : i32
    return %arg0, %c0_i32 : i32, i32
  }
  func.func @transform_1(%arg0: i32) -> (i32, i32) {
    %c0_i32 = arith.constant 0 : i32
    %c0_i32_0 = arith.constant 0 : i32
    return %arg0, %c0_i32 : i32, i32
  }
  func.func @transform_2(%arg0: i32) -> (i32, i32) {
    %c0_i32 = arith.constant 0 : i32
    %c0_i32_0 = arith.constant 0 : i32
    return %arg0, %c0_i32 : i32, i32
  }
  func.func @transform_3(%arg0: i32) -> (i32, i32, i32) {
    %c0_i32 = arith.constant 0 : i32
    %c0_i32_0 = arith.constant 0 : i32
    %c0_i32_1 = arith.constant 0 : i32
    return %arg0, %c0_i32, %c0_i32_0 : i32, i32, i32
  }
}

module attributes {stable_mosaic.version = 14 : i64} {
  func.func @_encoder_body(%arg0: i32, %arg1: memref<512x768xf32, #tpu.memory_space<vmem>>, %arg2: memref<768x512xf32, #tpu.memory_space<vmem>>, %arg3: memref<1x512xf32, #tpu.memory_space<vmem>>, %arg4: memref<512x256xf32, #tpu.memory_space<vmem>>, %arg5: memref<1x256xf32, #tpu.memory_space<vmem>>, %arg6: memref<256x256xf32, #tpu.memory_space<vmem>>, %arg7: memref<1x256xf32, #tpu.memory_space<vmem>>, %arg8: memref<512x256xf32, #tpu.memory_space<vmem>>) attributes {dimension_semantics = [#tpu.dimension_semantics<arbitrary>], iteration_bounds = array<i64: 8>, scalar_prefetch = 0 : i64, scratch_operands = 0 : i64, tpu.core_type = #tpu.core_type<tc>, window_params = [{transform_indices = @transform_0, window_bounds = array<i64: 512, 768>}, {pipeline_mode = #tpu.pipeline_mode<synchronous>, transform_indices = @transform_1, window_bounds = array<i64: 768, 512>}, {pipeline_mode = #tpu.pipeline_mode<synchronous>, transform_indices = @transform_2, window_bounds = array<i64: 1, 512>}, {pipeline_mode = #tpu.pipeline_mode<synchronous>, transform_indices = @transform_3, window_bounds = array<i64: 512, 256>}, {pipeline_mode = #tpu.pipeline_mode<synchronous>, transform_indices = @transform_4, window_bounds = array<i64: 1, 256>}, {pipeline_mode = #tpu.pipeline_mode<synchronous>, transform_indices = @transform_5, window_bounds = array<i64: 256, 256>}, {pipeline_mode = #tpu.pipeline_mode<synchronous>, transform_indices = @transform_6, window_bounds = array<i64: 1, 256>}, {transform_indices = @transform_7, window_bounds = array<i64: 512, 256>}]} {
    %get3A = arith.constant 0 : index
    %get3A_0 = arith.constant 0 : index
    %get3A_1 = vector.load %arg1[%get3A, %get3A_0] : memref<512x768xf32, #tpu.memory_space<vmem>>, vector<512x768xf32>
    %get3A_2 = arith.constant 0 : index
    %get3A_3 = arith.constant 0 : index
    %get3A_4 = vector.load %arg2[%get3A_2, %get3A_3] : memref<768x512xf32, #tpu.memory_space<vmem>>, vector<768x512xf32>
    %dot_general3A = arith.constant dense<0.000000e+00> : vector<512x512xf32>
    %dot_general3A_5 = tpu.matmul %get3A_1, %get3A_4, %dot_general3A {dimension_numbers = #tpu.dot_dimension_numbers<[1], [0], [0], [1], [0, 0, 1, 1], [], []>, transpose_lhs_hint = false} : vector<512x768xf32>, vector<768x512xf32>, vector<512x512xf32> -> vector<512x512xf32>
    %get3A_6 = arith.constant 0 : index
    %get3A_7 = arith.constant 0 : index
    %get3A_8 = vector.load %arg3[%get3A_6, %get3A_7] : memref<1x512xf32, #tpu.memory_space<vmem>>, vector<1x512xf32>
    %add3A = vector.broadcast %get3A_8 : vector<1x512xf32> to vector<512x512xf32>
    %add3A_9 = arith.addf %dot_general3A_5, %add3A : vector<512x512xf32>
    %logistic3A = arith.negf %add3A_9 : vector<512x512xf32>
    %logistic3A_10 = math.exp %logistic3A : vector<512x512xf32>
    %logistic3A_11 = arith.constant 1.000000e+00 : f32
    %logistic3A_12 = vector.broadcast %logistic3A_11 : f32 to vector<512x512xf32>
    %logistic3A_13 = arith.addf %logistic3A_12, %logistic3A_10 : vector<512x512xf32>
    %logistic3A_14 = arith.divf %logistic3A_12, %logistic3A_13 : vector<512x512xf32>
    %mul3A = arith.mulf %add3A_9, %logistic3A_14 : vector<512x512xf32>
    %get3A_15 = arith.constant 0 : index
    %get3A_16 = arith.constant 0 : index
    %get3A_17 = vector.load %arg4[%get3A_15, %get3A_16] : memref<512x256xf32, #tpu.memory_space<vmem>>, vector<512x256xf32>
    %dot_general3A_18 = arith.constant dense<0.000000e+00> : vector<512x256xf32>
    %dot_general3A_19 = tpu.matmul %mul3A, %get3A_17, %dot_general3A_18 {dimension_numbers = #tpu.dot_dimension_numbers<[1], [0], [0], [1], [0, 0, 1, 1], [], []>, transpose_lhs_hint = false} : vector<512x512xf32>, vector<512x256xf32>, vector<512x256xf32> -> vector<512x256xf32>
    %get3A_20 = arith.constant 0 : index
    %get3A_21 = arith.constant 0 : index
    %get3A_22 = vector.load %arg5[%get3A_20, %get3A_21] : memref<1x256xf32, #tpu.memory_space<vmem>>, vector<1x256xf32>
    %add3A_23 = vector.broadcast %get3A_22 : vector<1x256xf32> to vector<512x256xf32>
    %add3A_24 = arith.addf %dot_general3A_19, %add3A_23 : vector<512x256xf32>
    %logistic3A_25 = arith.negf %add3A_24 : vector<512x256xf32>
    %logistic3A_26 = math.exp %logistic3A_25 : vector<512x256xf32>
    %logistic3A_27 = arith.constant 1.000000e+00 : f32
    %logistic3A_28 = vector.broadcast %logistic3A_27 : f32 to vector<512x256xf32>
    %logistic3A_29 = arith.addf %logistic3A_28, %logistic3A_26 : vector<512x256xf32>
    %logistic3A_30 = arith.divf %logistic3A_28, %logistic3A_29 : vector<512x256xf32>
    %mul3A_31 = arith.mulf %add3A_24, %logistic3A_30 : vector<512x256xf32>
    %get3A_32 = arith.constant 0 : index
    %get3A_33 = arith.constant 0 : index
    %get3A_34 = vector.load %arg6[%get3A_32, %get3A_33] : memref<256x256xf32, #tpu.memory_space<vmem>>, vector<256x256xf32>
    %dot_general3A_35 = arith.constant dense<0.000000e+00> : vector<512x256xf32>
    %dot_general3A_36 = tpu.matmul %mul3A_31, %get3A_34, %dot_general3A_35 {dimension_numbers = #tpu.dot_dimension_numbers<[1], [0], [0], [1], [0, 0, 1, 1], [], []>, transpose_lhs_hint = false} : vector<512x256xf32>, vector<256x256xf32>, vector<512x256xf32> -> vector<512x256xf32>
    %get3A_37 = arith.constant 0 : index
    %get3A_38 = arith.constant 0 : index
    %get3A_39 = vector.load %arg7[%get3A_37, %get3A_38] : memref<1x256xf32, #tpu.memory_space<vmem>>, vector<1x256xf32>
    %add3A_40 = vector.broadcast %get3A_39 : vector<1x256xf32> to vector<512x256xf32>
    %add3A_41 = arith.addf %dot_general3A_36, %add3A_40 : vector<512x256xf32>
    %swap3A = arith.constant 0 : index
    %swap3A_42 = arith.constant 0 : index
    %swap3A_43 = vector.load %arg8[%swap3A, %swap3A_42] : memref<512x256xf32, #tpu.memory_space<vmem>>, vector<512x256xf32>
    tpu.vector_store %arg8[%swap3A, %swap3A_42], %add3A_41 {strides = array<i32>} : memref<512x256xf32, #tpu.memory_space<vmem>>, vector<512x256xf32>,
    return
  }
  func.func @transform_0(%arg0: i32) -> (i32, i32) {
    %c0_i32 = arith.constant 0 : i32
    %c0_i32_0 = arith.constant 0 : i32
    return %arg0, %c0_i32 : i32, i32
  }
  func.func @transform_1(%arg0: i32) -> (i32, i32) {
    %c0_i32 = arith.constant 0 : i32
    %c0_i32_0 = arith.constant 0 : i32
    %c0_i32_1 = arith.constant 0 : i32
    return %c0_i32, %c0_i32_0 : i32, i32
  }
  func.func @transform_2(%arg0: i32) -> (i32, i32) {
    %c0_i32 = arith.constant 0 : i32
    %c0_i32_0 = arith.constant 0 : i32
    %c0_i32_1 = arith.constant 0 : i32
    return %c0_i32, %c0_i32_0 : i32, i32
  }
  func.func @transform_3(%arg0: i32) -> (i32, i32) {
    %c0_i32 = arith.constant 0 : i32
    %c0_i32_0 = arith.constant 0 : i32
    %c0_i32_1 = arith.constant 0 : i32
    return %c0_i32, %c0_i32_0 : i32, i32
  }
  func.func @transform_4(%arg0: i32) -> (i32, i32) {
    %c0_i32 = arith.constant 0 : i32
    %c0_i32_0 = arith.constant 0 : i32
    %c0_i32_1 = arith.constant 0 : i32
    return %c0_i32, %c0_i32_0 : i32, i32
  }
  func.func @transform_5(%arg0: i32) -> (i32, i32) {
    %c0_i32 = arith.constant 0 : i32
    %c0_i32_0 = arith.constant 0 : i32
    %c0_i32_1 = arith.constant 0 : i32
    return %c0_i32, %c0_i32_0 : i32, i32
  }
  func.func @transform_6(%arg0: i32) -> (i32, i32) {
    %c0_i32 = arith.constant 0 : i32
    %c0_i32_0 = arith.constant 0 : i32
    %c0_i32_1 = arith.constant 0 : i32
    return %c0_i32, %c0_i32_0 : i32, i32
  }
  func.func @transform_7(%arg0: i32) -> (i32, i32) {
    %c0_i32 = arith.constant 0 : i32
    %c0_i32_0 = arith.constant 0 : i32
    return %arg0, %c0_i32 : i32, i32
  }
}

module attributes {stable_mosaic.version = 14 : i64} {
  func.func @_codebook_body(%arg0: i32, %arg1: memref<1024x256xf32, #tpu.memory_space<vmem>>, %arg2: memref<256x256xf32, #tpu.memory_space<vmem>>, %arg3: memref<1024x256xf32, #tpu.memory_space<vmem>>, %arg4: memref<256x256xf32, #tpu.memory_space<vmem>>, %arg5: memref<1024x256xf32, #tpu.memory_space<vmem>>, %arg6: memref<256x256xf32, #tpu.memory_space<vmem>>, %arg7: memref<1024x256xf32, #tpu.memory_space<vmem>>, %arg8: memref<1024x256xf32, #tpu.memory_space<vmem>>, %arg9: memref<1024x256xf32, #tpu.memory_space<vmem>>, %arg10: memref<1x1024xf32, #tpu.memory_space<vmem>>, %arg11: memref<1x1024xf32, #tpu.memory_space<vmem>>, %arg12: memref<1x1024xf32, #tpu.memory_space<vmem>>) attributes {dimension_semantics = [#tpu.dimension_semantics<arbitrary>], iteration_bounds = array<i64: 8>, scalar_prefetch = 0 : i64, scratch_operands = 0 : i64, tpu.core_type = #tpu.core_type<tc>, window_params = [{transform_indices = @transform_0, window_bounds = array<i64: 1024, 256>}, {pipeline_mode = #tpu.pipeline_mode<synchronous>, transform_indices = @transform_1, window_bounds = array<i64: 256, 256>}, {transform_indices = @transform_2, window_bounds = array<i64: 1024, 256>}, {pipeline_mode = #tpu.pipeline_mode<synchronous>, transform_indices = @transform_3, window_bounds = array<i64: 256, 256>}, {transform_indices = @transform_4, window_bounds = array<i64: 1024, 256>}, {pipeline_mode = #tpu.pipeline_mode<synchronous>, transform_indices = @transform_5, window_bounds = array<i64: 256, 256>}, {transform_indices = @transform_6, window_bounds = array<i64: 1024, 256>}, {transform_indices = @transform_7, window_bounds = array<i64: 1024, 256>}, {transform_indices = @transform_8, window_bounds = array<i64: 1024, 256>}, {transform_indices = @transform_9, window_bounds = array<i64: 1, 1024>}, {transform_indices = @transform_10, window_bounds = array<i64: 1, 1024>}, {transform_indices = @transform_11, window_bounds = array<i64: 1, 1024>}]} {
    %get3A = arith.constant 0 : index
    %get3A_0 = arith.constant 0 : index
    %get3A_1 = vector.load %arg1[%get3A, %get3A_0] : memref<1024x256xf32, #tpu.memory_space<vmem>>, vector<1024x256xf32>
    %get3A_2 = arith.constant 0 : index
    %get3A_3 = arith.constant 0 : index
    %get3A_4 = vector.load %arg2[%get3A_2, %get3A_3] : memref<256x256xf32, #tpu.memory_space<vmem>>, vector<256x256xf32>
    %dot_general3A = arith.constant dense<0.000000e+00> : vector<1024x256xf32>
    %dot_general3A_5 = tpu.matmul %get3A_1, %get3A_4, %dot_general3A {dimension_numbers = #tpu.dot_dimension_numbers<[1], [0], [0], [1], [0, 0, 1, 1], [], []>, transpose_lhs_hint = false} : vector<1024x256xf32>, vector<256x256xf32>, vector<1024x256xf32> -> vector<1024x256xf32>
    %swap3A = arith.constant 0 : index
    %swap3A_6 = arith.constant 0 : index
    %swap3A_7 = vector.load %arg7[%swap3A, %swap3A_6] : memref<1024x256xf32, #tpu.memory_space<vmem>>, vector<1024x256xf32>
    tpu.vector_store %arg7[%swap3A, %swap3A_6], %dot_general3A_5 {strides = array<i32>} : memref<1024x256xf32, #tpu.memory_space<vmem>>, vector<1024x256xf32>,
    %mul3A = arith.mulf %dot_general3A_5, %dot_general3A_5 : vector<1024x256xf32>
    %reduce_sum3A = arith.constant dense<0.000000e+00> : vector<1024xf32>
    %reduce_sum3A_8 = vector.multi_reduction <add>, %mul3A, %reduce_sum3A [1] : vector<1024x256xf32> to vector<1024xf32>
    %swap3A_9 = arith.constant 0 : index
    %swap3A_10 = arith.constant 0 : index
    %swap3A_11 = vector.load %arg10[%swap3A_9, %swap3A_10] : memref<1x1024xf32, #tpu.memory_space<vmem>>, vector<1x1024xf32>
    %swap3A_12 = vector.shape_cast %swap3A_11 : vector<1x1024xf32> to vector<1024xf32>
    %swap3A_13 = vector.shape_cast %reduce_sum3A_8 : vector<1024xf32> to vector<1x1024xf32>
    tpu.vector_store %arg10[%swap3A_9, %swap3A_10], %swap3A_13 {strides = array<i32>} : memref<1x1024xf32, #tpu.memory_space<vmem>>, vector<1x1024xf32>,
    %get3A_14 = arith.constant 0 : index
    %get3A_15 = arith.constant 0 : index
    %get3A_16 = vector.load %arg3[%get3A_14, %get3A_15] : memref<1024x256xf32, #tpu.memory_space<vmem>>, vector<1024x256xf32>
    %get3A_17 = arith.constant 0 : index
    %get3A_18 = arith.constant 0 : index
    %get3A_19 = vector.load %arg4[%get3A_17, %get3A_18] : memref<256x256xf32, #tpu.memory_space<vmem>>, vector<256x256xf32>
    %dot_general3A_20 = arith.constant dense<0.000000e+00> : vector<1024x256xf32>
    %dot_general3A_21 = tpu.matmul %get3A_16, %get3A_19, %dot_general3A_20 {dimension_numbers = #tpu.dot_dimension_numbers<[1], [0], [0], [1], [0, 0, 1, 1], [], []>, transpose_lhs_hint = false} : vector<1024x256xf32>, vector<256x256xf32>, vector<1024x256xf32> -> vector<1024x256xf32>
    %swap3A_22 = arith.constant 0 : index
    %swap3A_23 = arith.constant 0 : index
    %swap3A_24 = vector.load %arg8[%swap3A_22, %swap3A_23] : memref<1024x256xf32, #tpu.memory_space<vmem>>, vector<1024x256xf32>
    tpu.vector_store %arg8[%swap3A_22, %swap3A_23], %dot_general3A_21 {strides = array<i32>} : memref<1024x256xf32, #tpu.memory_space<vmem>>, vector<1024x256xf32>,
    %mul3A_25 = arith.mulf %dot_general3A_21, %dot_general3A_21 : vector<1024x256xf32>
    %reduce_sum3A_26 = arith.constant dense<0.000000e+00> : vector<1024xf32>
    %reduce_sum3A_27 = vector.multi_reduction <add>, %mul3A_25, %reduce_sum3A_26 [1] : vector<1024x256xf32> to vector<1024xf32>
    %swap3A_28 = arith.constant 0 : index
    %swap3A_29 = arith.constant 0 : index
    %swap3A_30 = vector.load %arg11[%swap3A_28, %swap3A_29] : memref<1x1024xf32, #tpu.memory_space<vmem>>, vector<1x1024xf32>
    %swap3A_31 = vector.shape_cast %swap3A_30 : vector<1x1024xf32> to vector<1024xf32>
    %swap3A_32 = vector.shape_cast %reduce_sum3A_27 : vector<1024xf32> to vector<1x1024xf32>
    tpu.vector_store %arg11[%swap3A_28, %swap3A_29], %swap3A_32 {strides = array<i32>} : memref<1x1024xf32, #tpu.memory_space<vmem>>, vector<1x1024xf32>,
    %get3A_33 = arith.constant 0 : index
    %get3A_34 = arith.constant 0 : index
    %get3A_35 = vector.load %arg5[%get3A_33, %get3A_34] : memref<1024x256xf32, #tpu.memory_space<vmem>>, vector<1024x256xf32>
    %get3A_36 = arith.constant 0 : index
    %get3A_37 = arith.constant 0 : index
    %get3A_38 = vector.load %arg6[%get3A_36, %get3A_37] : memref<256x256xf32, #tpu.memory_space<vmem>>, vector<256x256xf32>
    %dot_general3A_39 = arith.constant dense<0.000000e+00> : vector<1024x256xf32>
    %dot_general3A_40 = tpu.matmul %get3A_35, %get3A_38, %dot_general3A_39 {dimension_numbers = #tpu.dot_dimension_numbers<[1], [0], [0], [1], [0, 0, 1, 1], [], []>, transpose_lhs_hint = false} : vector<1024x256xf32>, vector<256x256xf32>, vector<1024x256xf32> -> vector<1024x256xf32>
    %swap3A_41 = arith.constant 0 : index
    %swap3A_42 = arith.constant 0 : index
    %swap3A_43 = vector.load %arg9[%swap3A_41, %swap3A_42] : memref<1024x256xf32, #tpu.memory_space<vmem>>, vector<1024x256xf32>
    tpu.vector_store %arg9[%swap3A_41, %swap3A_42], %dot_general3A_40 {strides = array<i32>} : memref<1024x256xf32, #tpu.memory_space<vmem>>, vector<1024x256xf32>,
    %mul3A_44 = arith.mulf %dot_general3A_40, %dot_general3A_40 : vector<1024x256xf32>
    %reduce_sum3A_45 = arith.constant dense<0.000000e+00> : vector<1024xf32>
    %reduce_sum3A_46 = vector.multi_reduction <add>, %mul3A_44, %reduce_sum3A_45 [1] : vector<1024x256xf32> to vector<1024xf32>
    %swap3A_47 = arith.constant 0 : index
    %swap3A_48 = arith.constant 0 : index
    %swap3A_49 = vector.load %arg12[%swap3A_47, %swap3A_48] : memref<1x1024xf32, #tpu.memory_space<vmem>>, vector<1x1024xf32>
    %swap3A_50 = vector.shape_cast %swap3A_49 : vector<1x1024xf32> to vector<1024xf32>
    %swap3A_51 = vector.shape_cast %reduce_sum3A_46 : vector<1024xf32> to vector<1x1024xf32>
    tpu.vector_store %arg12[%swap3A_47, %swap3A_48], %swap3A_51 {strides = array<i32>} : memref<1x1024xf32, #tpu.memory_space<vmem>>, vector<1x1024xf32>,
    return
  }
  func.func @transform_0(%arg0: i32) -> (i32, i32) {
    %c0_i32 = arith.constant 0 : i32
    %c0_i32_0 = arith.constant 0 : i32
    return %arg0, %c0_i32 : i32, i32
  }
  func.func @transform_1(%arg0: i32) -> (i32, i32) {
    %c0_i32 = arith.constant 0 : i32
    %c0_i32_0 = arith.constant 0 : i32
    %c0_i32_1 = arith.constant 0 : i32
    return %c0_i32, %c0_i32_0 : i32, i32
  }
  func.func @transform_2(%arg0: i32) -> (i32, i32) {
    %c0_i32 = arith.constant 0 : i32
    %c0_i32_0 = arith.constant 0 : i32
    return %arg0, %c0_i32 : i32, i32
  }
  func.func @transform_3(%arg0: i32) -> (i32, i32) {
    %c0_i32 = arith.constant 0 : i32
    %c0_i32_0 = arith.constant 0 : i32
    %c0_i32_1 = arith.constant 0 : i32
    return %c0_i32, %c0_i32_0 : i32, i32
  }
  func.func @transform_4(%arg0: i32) -> (i32, i32) {
    %c0_i32 = arith.constant 0 : i32
    %c0_i32_0 = arith.constant 0 : i32
    return %arg0, %c0_i32 : i32, i32
  }
  func.func @transform_5(%arg0: i32) -> (i32, i32) {
    %c0_i32 = arith.constant 0 : i32
    %c0_i32_0 = arith.constant 0 : i32
    %c0_i32_1 = arith.constant 0 : i32
    return %c0_i32, %c0_i32_0 : i32, i32
  }
  func.func @transform_6(%arg0: i32) -> (i32, i32) {
    %c0_i32 = arith.constant 0 : i32
    %c0_i32_0 = arith.constant 0 : i32
    return %arg0, %c0_i32 : i32, i32
  }
  func.func @transform_7(%arg0: i32) -> (i32, i32) {
    %c0_i32 = arith.constant 0 : i32
    %c0_i32_0 = arith.constant 0 : i32
    return %arg0, %c0_i32 : i32, i32
  }
  func.func @transform_8(%arg0: i32) -> (i32, i32) {
    %c0_i32 = arith.constant 0 : i32
    %c0_i32_0 = arith.constant 0 : i32
    return %arg0, %c0_i32 : i32, i32
  }
  func.func @transform_9(%arg0: i32) -> (i32, i32) {
    %c0_i32 = arith.constant 0 : i32
    %c0_i32_0 = arith.constant 0 : i32
    return %c0_i32, %arg0 : i32, i32
  }
  func.func @transform_10(%arg0: i32) -> (i32, i32) {
    %c0_i32 = arith.constant 0 : i32
    %c0_i32_0 = arith.constant 0 : i32
    return %c0_i32, %arg0 : i32, i32
  }
  func.func @transform_11(%arg0: i32) -> (i32, i32) {
    %c0_i32 = arith.constant 0 : i32
    %c0_i32_0 = arith.constant 0 : i32
    return %c0_i32, %arg0 : i32, i32
  }
}

module attributes {stable_mosaic.version = 14 : i64} {
  func.func @_dist_body(%arg0: i32, %arg1: memref<512x256xf32, #tpu.memory_space<vmem>>, %arg2: memref<8192x256xf32, #tpu.memory_space<vmem>>, %arg3: memref<1x8192xf32, #tpu.memory_space<vmem>>, %arg4: memref<1x1x512xi32, #tpu.memory_space<vmem>>) attributes {dimension_semantics = [#tpu.dimension_semantics<arbitrary>], iteration_bounds = array<i64: 8>, scalar_prefetch = 0 : i64, scratch_operands = 0 : i64, tpu.core_type = #tpu.core_type<tc>, window_params = [{transform_indices = @transform_0, window_bounds = array<i64: 512, 256>}, {pipeline_mode = #tpu.pipeline_mode<synchronous>, transform_indices = @transform_1, window_bounds = array<i64: 8192, 256>}, {pipeline_mode = #tpu.pipeline_mode<synchronous>, transform_indices = @transform_2, window_bounds = array<i64: 1, 8192>}, {transform_indices = @transform_3, window_bounds = array<i64: 1, 1, 512>}]} {
    %get3A = arith.constant 0 : index
    %get3A_0 = arith.constant 0 : index
    %get3A_1 = vector.load %arg1[%get3A, %get3A_0] : memref<512x256xf32, #tpu.memory_space<vmem>>, vector<512x256xf32>
    %mul3A = arith.mulf %get3A_1, %get3A_1 : vector<512x256xf32>
    %reduce_sum3A = arith.constant dense<0.000000e+00> : vector<512xf32>
    %reduce_sum3A_2 = vector.multi_reduction <add>, %mul3A, %reduce_sum3A [1] : vector<512x256xf32> to vector<512xf32>
    %broadcast_in_dim3A = vector.shape_cast %reduce_sum3A_2 : vector<512xf32> to vector<512x1xf32>
    %iota3A = tpu.iota {dimensions = array<i32: 1>} : vector<512x1024xi32>
    %broadcast_in_dim3A_3 = arith.constant 0x7F800000 : f32
    %broadcast_in_dim3A_4 = vector.broadcast %broadcast_in_dim3A_3 : f32 to vector<512x1xf32>
    %broadcast_in_dim3A_5 = arith.constant 0 : i32
    %broadcast_in_dim3A_6 = vector.broadcast %broadcast_in_dim3A_5 : i32 to vector<512x1xi32>
    %get3A_7 = arith.constant 0 : index
    %get3A_8 = arith.constant 0 : index
    %get3A_9 = vector.load %arg2[%get3A_7, %get3A_8] : memref<8192x256xf32, #tpu.memory_space<vmem>>, vector<1024x256xf32>
    %get3A_10 = arith.constant 0 : index
    %get3A_11 = arith.constant 0 : index
    %get3A_12 = vector.load %arg3[%get3A_10, %get3A_11] : memref<1x8192xf32, #tpu.memory_space<vmem>>, vector<1x1024xf32>
    %get3A_13 = vector.shape_cast %get3A_12 : vector<1x1024xf32> to vector<1024xf32>
    %broadcast_in_dim3A_14 = vector.shape_cast %get3A_13 : vector<1024xf32> to vector<1x1024xf32>
    %add3A = vector.broadcast %broadcast_in_dim3A : vector<512x1xf32> to vector<512x1024xf32>
    %add3A_15 = vector.broadcast %broadcast_in_dim3A_14 : vector<1x1024xf32> to vector<512x1024xf32>
    %add3A_16 = arith.addf %add3A, %add3A_15 : vector<512x1024xf32>
    %dot_general3A = arith.constant dense<0.000000e+00> : vector<512x1024xf32>
    %dot_general3A_17 = tpu.matmul %get3A_1, %get3A_9, %dot_general3A {dimension_numbers = #tpu.dot_dimension_numbers<[1], [1], [0], [0], [0, 0, 1, 0], [], []>, transpose_lhs_hint = false} : vector<512x256xf32>, vector<1024x256xf32>, vector<512x1024xf32> -> vector<512x1024xf32>
    %mul3A_18 = arith.constant 2.000000e+00 : f32
    %mul3A_19 = vector.broadcast %mul3A_18 : f32 to vector<512x1024xf32>
    %mul3A_20 = arith.mulf %mul3A_19, %dot_general3A_17 : vector<512x1024xf32>
    %sub3A = arith.subf %add3A_16, %mul3A_20 : vector<512x1024xf32>
    %reduce_min3A = arith.constant dense<0x7F800000> : vector<512xf32>
    %reduce_min3A_21 = vector.multi_reduction <minimumf>, %sub3A, %reduce_min3A [1] : vector<512x1024xf32> to vector<512xf32>
    %broadcast_in_dim3A_22 = vector.shape_cast %reduce_min3A_21 : vector<512xf32> to vector<512x1xf32>
    %eq3A = vector.broadcast %broadcast_in_dim3A_22 : vector<512x1xf32> to vector<512x1024xf32>
    %eq3A_23 = arith.cmpf oeq, %sub3A, %eq3A : vector<512x1024xf32>
    %jit3A = arith.constant 8192 : i32
    %broadcast_in_dim3A_24 = vector.broadcast %jit3A : i32 to vector<512x1024xi32>
    %select_n3A = arith.select %eq3A_23, %iota3A, %broadcast_in_dim3A_24 : vector<512x1024xi1>, vector<512x1024xi32>
    %reduce_min3A_25 = arith.constant dense<2147483647> : vector<512xi32>
    %reduce_min3A_26 = vector.multi_reduction <minsi>, %select_n3A, %reduce_min3A_25 [1] : vector<512x1024xi32> to vector<512xi32>
    %broadcast_in_dim3A_27 = vector.shape_cast %reduce_min3A_26 : vector<512xi32> to vector<512x1xi32>
    %add3A_28 = arith.constant 0 : i32
    %add3A_29 = vector.broadcast %add3A_28 : i32 to vector<512x1xi32>
    %add3A_30 = arith.addi %broadcast_in_dim3A_27, %add3A_29 : vector<512x1xi32>
    %lt3A = arith.cmpf olt, %broadcast_in_dim3A_22, %broadcast_in_dim3A_4 : vector<512x1xf32>
    %select_n3A_31 = arith.select %lt3A, %broadcast_in_dim3A_22, %broadcast_in_dim3A_4 : vector<512x1xi1>, vector<512x1xf32>
    %select_n3A_32 = arith.select %lt3A, %add3A_30, %broadcast_in_dim3A_6 : vector<512x1xi1>, vector<512x1xi32>
    %get3A_33 = arith.constant 1024 : index
    %get3A_34 = arith.constant 0 : index
    %get3A_35 = vector.load %arg2[%get3A_33, %get3A_34] : memref<8192x256xf32, #tpu.memory_space<vmem>>, vector<1024x256xf32>
    %get3A_36 = arith.constant 0 : index
    %get3A_37 = arith.constant 1024 : index
    %get3A_38 = vector.load %arg3[%get3A_36, %get3A_37] : memref<1x8192xf32, #tpu.memory_space<vmem>>, vector<1x1024xf32>
    %get3A_39 = vector.shape_cast %get3A_38 : vector<1x1024xf32> to vector<1024xf32>
    %broadcast_in_dim3A_40 = vector.shape_cast %get3A_39 : vector<1024xf32> to vector<1x1024xf32>
    %add3A_41 = vector.broadcast %broadcast_in_dim3A : vector<512x1xf32> to vector<512x1024xf32>
    %add3A_42 = vector.broadcast %broadcast_in_dim3A_40 : vector<1x1024xf32> to vector<512x1024xf32>
    %add3A_43 = arith.addf %add3A_41, %add3A_42 : vector<512x1024xf32>
    %dot_general3A_44 = arith.constant dense<0.000000e+00> : vector<512x1024xf32>
    %dot_general3A_45 = tpu.matmul %get3A_1, %get3A_35, %dot_general3A_44 {dimension_numbers = #tpu.dot_dimension_numbers<[1], [1], [0], [0], [0, 0, 1, 0], [], []>, transpose_lhs_hint = false} : vector<512x256xf32>, vector<1024x256xf32>, vector<512x1024xf32> -> vector<512x1024xf32>
    %mul3A_46 = arith.constant 2.000000e+00 : f32
    %mul3A_47 = vector.broadcast %mul3A_46 : f32 to vector<512x1024xf32>
    %mul3A_48 = arith.mulf %mul3A_47, %dot_general3A_45 : vector<512x1024xf32>
    %sub3A_49 = arith.subf %add3A_43, %mul3A_48 : vector<512x1024xf32>
    %reduce_min3A_50 = arith.constant dense<0x7F800000> : vector<512xf32>
    %reduce_min3A_51 = vector.multi_reduction <minimumf>, %sub3A_49, %reduce_min3A_50 [1] : vector<512x1024xf32> to vector<512xf32>
    %broadcast_in_dim3A_52 = vector.shape_cast %reduce_min3A_51 : vector<512xf32> to vector<512x1xf32>
    %eq3A_53 = vector.broadcast %broadcast_in_dim3A_52 : vector<512x1xf32> to vector<512x1024xf32>
    %eq3A_54 = arith.cmpf oeq, %sub3A_49, %eq3A_53 : vector<512x1024xf32>
    %jit3A_55 = arith.constant 8192 : i32
    %broadcast_in_dim3A_56 = vector.broadcast %jit3A_55 : i32 to vector<512x1024xi32>
    %select_n3A_57 = arith.select %eq3A_54, %iota3A, %broadcast_in_dim3A_56 : vector<512x1024xi1>, vector<512x1024xi32>
    %reduce_min3A_58 = arith.constant dense<2147483647> : vector<512xi32>
    %reduce_min3A_59 = vector.multi_reduction <minsi>, %select_n3A_57, %reduce_min3A_58 [1] : vector<512x1024xi32> to vector<512xi32>
    %broadcast_in_dim3A_60 = vector.shape_cast %reduce_min3A_59 : vector<512xi32> to vector<512x1xi32>
    %add3A_61 = arith.constant 1024 : i32
    %add3A_62 = vector.broadcast %add3A_61 : i32 to vector<512x1xi32>
    %add3A_63 = arith.addi %broadcast_in_dim3A_60, %add3A_62 : vector<512x1xi32>
    %lt3A_64 = arith.cmpf olt, %broadcast_in_dim3A_52, %select_n3A_31 : vector<512x1xf32>
    %select_n3A_65 = arith.select %lt3A_64, %broadcast_in_dim3A_52, %select_n3A_31 : vector<512x1xi1>, vector<512x1xf32>
    %select_n3A_66 = arith.select %lt3A_64, %add3A_63, %select_n3A_32 : vector<512x1xi1>, vector<512x1xi32>
    %get3A_67 = arith.constant 2048 : index
    %get3A_68 = arith.constant 0 : index
    %get3A_69 = vector.load %arg2[%get3A_67, %get3A_68] : memref<8192x256xf32, #tpu.memory_space<vmem>>, vector<1024x256xf32>
    %get3A_70 = arith.constant 0 : index
    %get3A_71 = arith.constant 2048 : index
    %get3A_72 = vector.load %arg3[%get3A_70, %get3A_71] : memref<1x8192xf32, #tpu.memory_space<vmem>>, vector<1x1024xf32>
    %get3A_73 = vector.shape_cast %get3A_72 : vector<1x1024xf32> to vector<1024xf32>
    %broadcast_in_dim3A_74 = vector.shape_cast %get3A_73 : vector<1024xf32> to vector<1x1024xf32>
    %add3A_75 = vector.broadcast %broadcast_in_dim3A : vector<512x1xf32> to vector<512x1024xf32>
    %add3A_76 = vector.broadcast %broadcast_in_dim3A_74 : vector<1x1024xf32> to vector<512x1024xf32>
    %add3A_77 = arith.addf %add3A_75, %add3A_76 : vector<512x1024xf32>
    %dot_general3A_78 = arith.constant dense<0.000000e+00> : vector<512x1024xf32>
    %dot_general3A_79 = tpu.matmul %get3A_1, %get3A_69, %dot_general3A_78 {dimension_numbers = #tpu.dot_dimension_numbers<[1], [1], [0], [0], [0, 0, 1, 0], [], []>, transpose_lhs_hint = false} : vector<512x256xf32>, vector<1024x256xf32>, vector<512x1024xf32> -> vector<512x1024xf32>
    %mul3A_80 = arith.constant 2.000000e+00 : f32
    %mul3A_81 = vector.broadcast %mul3A_80 : f32 to vector<512x1024xf32>
    %mul3A_82 = arith.mulf %mul3A_81, %dot_general3A_79 : vector<512x1024xf32>
    %sub3A_83 = arith.subf %add3A_77, %mul3A_82 : vector<512x1024xf32>
    %reduce_min3A_84 = arith.constant dense<0x7F800000> : vector<512xf32>
    %reduce_min3A_85 = vector.multi_reduction <minimumf>, %sub3A_83, %reduce_min3A_84 [1] : vector<512x1024xf32> to vector<512xf32>
    %broadcast_in_dim3A_86 = vector.shape_cast %reduce_min3A_85 : vector<512xf32> to vector<512x1xf32>
    %eq3A_87 = vector.broadcast %broadcast_in_dim3A_86 : vector<512x1xf32> to vector<512x1024xf32>
    %eq3A_88 = arith.cmpf oeq, %sub3A_83, %eq3A_87 : vector<512x1024xf32>
    %jit3A_89 = arith.constant 8192 : i32
    %broadcast_in_dim3A_90 = vector.broadcast %jit3A_89 : i32 to vector<512x1024xi32>
    %select_n3A_91 = arith.select %eq3A_88, %iota3A, %broadcast_in_dim3A_90 : vector<512x1024xi1>, vector<512x1024xi32>
    %reduce_min3A_92 = arith.constant dense<2147483647> : vector<512xi32>
    %reduce_min3A_93 = vector.multi_reduction <minsi>, %select_n3A_91, %reduce_min3A_92 [1] : vector<512x1024xi32> to vector<512xi32>
    %broadcast_in_dim3A_94 = vector.shape_cast %reduce_min3A_93 : vector<512xi32> to vector<512x1xi32>
    %add3A_95 = arith.constant 2048 : i32
    %add3A_96 = vector.broadcast %add3A_95 : i32 to vector<512x1xi32>
    %add3A_97 = arith.addi %broadcast_in_dim3A_94, %add3A_96 : vector<512x1xi32>
    %lt3A_98 = arith.cmpf olt, %broadcast_in_dim3A_86, %select_n3A_65 : vector<512x1xf32>
    %select_n3A_99 = arith.select %lt3A_98, %broadcast_in_dim3A_86, %select_n3A_65 : vector<512x1xi1>, vector<512x1xf32>
    %select_n3A_100 = arith.select %lt3A_98, %add3A_97, %select_n3A_66 : vector<512x1xi1>, vector<512x1xi32>
    %get3A_101 = arith.constant 3072 : index
    %get3A_102 = arith.constant 0 : index
    %get3A_103 = vector.load %arg2[%get3A_101, %get3A_102] : memref<8192x256xf32, #tpu.memory_space<vmem>>, vector<1024x256xf32>
    %get3A_104 = arith.constant 0 : index
    %get3A_105 = arith.constant 3072 : index
    %get3A_106 = vector.load %arg3[%get3A_104, %get3A_105] : memref<1x8192xf32, #tpu.memory_space<vmem>>, vector<1x1024xf32>
    %get3A_107 = vector.shape_cast %get3A_106 : vector<1x1024xf32> to vector<1024xf32>
    %broadcast_in_dim3A_108 = vector.shape_cast %get3A_107 : vector<1024xf32> to vector<1x1024xf32>
    %add3A_109 = vector.broadcast %broadcast_in_dim3A : vector<512x1xf32> to vector<512x1024xf32>
    %add3A_110 = vector.broadcast %broadcast_in_dim3A_108 : vector<1x1024xf32> to vector<512x1024xf32>
    %add3A_111 = arith.addf %add3A_109, %add3A_110 : vector<512x1024xf32>
    %dot_general3A_112 = arith.constant dense<0.000000e+00> : vector<512x1024xf32>
    %dot_general3A_113 = tpu.matmul %get3A_1, %get3A_103, %dot_general3A_112 {dimension_numbers = #tpu.dot_dimension_numbers<[1], [1], [0], [0], [0, 0, 1, 0], [], []>, transpose_lhs_hint = false} : vector<512x256xf32>, vector<1024x256xf32>, vector<512x1024xf32> -> vector<512x1024xf32>
    %mul3A_114 = arith.constant 2.000000e+00 : f32
    %mul3A_115 = vector.broadcast %mul3A_114 : f32 to vector<512x1024xf32>
    %mul3A_116 = arith.mulf %mul3A_115, %dot_general3A_113 : vector<512x1024xf32>
    %sub3A_117 = arith.subf %add3A_111, %mul3A_116 : vector<512x1024xf32>
    %reduce_min3A_118 = arith.constant dense<0x7F800000> : vector<512xf32>
    %reduce_min3A_119 = vector.multi_reduction <minimumf>, %sub3A_117, %reduce_min3A_118 [1] : vector<512x1024xf32> to vector<512xf32>
    %broadcast_in_dim3A_120 = vector.shape_cast %reduce_min3A_119 : vector<512xf32> to vector<512x1xf32>
    %eq3A_121 = vector.broadcast %broadcast_in_dim3A_120 : vector<512x1xf32> to vector<512x1024xf32>
    %eq3A_122 = arith.cmpf oeq, %sub3A_117, %eq3A_121 : vector<512x1024xf32>
    %jit3A_123 = arith.constant 8192 : i32
    %broadcast_in_dim3A_124 = vector.broadcast %jit3A_123 : i32 to vector<512x1024xi32>
    %select_n3A_125 = arith.select %eq3A_122, %iota3A, %broadcast_in_dim3A_124 : vector<512x1024xi1>, vector<512x1024xi32>
    %reduce_min3A_126 = arith.constant dense<2147483647> : vector<512xi32>
    %reduce_min3A_127 = vector.multi_reduction <minsi>, %select_n3A_125, %reduce_min3A_126 [1] : vector<512x1024xi32> to vector<512xi32>
    %broadcast_in_dim3A_128 = vector.shape_cast %reduce_min3A_127 : vector<512xi32> to vector<512x1xi32>
    %add3A_129 = arith.constant 3072 : i32
    %add3A_130 = vector.broadcast %add3A_129 : i32 to vector<512x1xi32>
    %add3A_131 = arith.addi %broadcast_in_dim3A_128, %add3A_130 : vector<512x1xi32>
    %lt3A_132 = arith.cmpf olt, %broadcast_in_dim3A_120, %select_n3A_99 : vector<512x1xf32>
    %select_n3A_133 = arith.select %lt3A_132, %broadcast_in_dim3A_120, %select_n3A_99 : vector<512x1xi1>, vector<512x1xf32>
    %select_n3A_134 = arith.select %lt3A_132, %add3A_131, %select_n3A_100 : vector<512x1xi1>, vector<512x1xi32>
    %get3A_135 = arith.constant 4096 : index
    %get3A_136 = arith.constant 0 : index
    %get3A_137 = vector.load %arg2[%get3A_135, %get3A_136] : memref<8192x256xf32, #tpu.memory_space<vmem>>, vector<1024x256xf32>
    %get3A_138 = arith.constant 0 : index
    %get3A_139 = arith.constant 4096 : index
    %get3A_140 = vector.load %arg3[%get3A_138, %get3A_139] : memref<1x8192xf32, #tpu.memory_space<vmem>>, vector<1x1024xf32>
    %get3A_141 = vector.shape_cast %get3A_140 : vector<1x1024xf32> to vector<1024xf32>
    %broadcast_in_dim3A_142 = vector.shape_cast %get3A_141 : vector<1024xf32> to vector<1x1024xf32>
    %add3A_143 = vector.broadcast %broadcast_in_dim3A : vector<512x1xf32> to vector<512x1024xf32>
    %add3A_144 = vector.broadcast %broadcast_in_dim3A_142 : vector<1x1024xf32> to vector<512x1024xf32>
    %add3A_145 = arith.addf %add3A_143, %add3A_144 : vector<512x1024xf32>
    %dot_general3A_146 = arith.constant dense<0.000000e+00> : vector<512x1024xf32>
    %dot_general3A_147 = tpu.matmul %get3A_1, %get3A_137, %dot_general3A_146 {dimension_numbers = #tpu.dot_dimension_numbers<[1], [1], [0], [0], [0, 0, 1, 0], [], []>, transpose_lhs_hint = false} : vector<512x256xf32>, vector<1024x256xf32>, vector<512x1024xf32> -> vector<512x1024xf32>
    %mul3A_148 = arith.constant 2.000000e+00 : f32
    %mul3A_149 = vector.broadcast %mul3A_148 : f32 to vector<512x1024xf32>
    %mul3A_150 = arith.mulf %mul3A_149, %dot_general3A_147 : vector<512x1024xf32>
    %sub3A_151 = arith.subf %add3A_145, %mul3A_150 : vector<512x1024xf32>
    %reduce_min3A_152 = arith.constant dense<0x7F800000> : vector<512xf32>
    %reduce_min3A_153 = vector.multi_reduction <minimumf>, %sub3A_151, %reduce_min3A_152 [1] : vector<512x1024xf32> to vector<512xf32>
    %broadcast_in_dim3A_154 = vector.shape_cast %reduce_min3A_153 : vector<512xf32> to vector<512x1xf32>
    %eq3A_155 = vector.broadcast %broadcast_in_dim3A_154 : vector<512x1xf32> to vector<512x1024xf32>
    %eq3A_156 = arith.cmpf oeq, %sub3A_151, %eq3A_155 : vector<512x1024xf32>
    %jit3A_157 = arith.constant 8192 : i32
    %broadcast_in_dim3A_158 = vector.broadcast %jit3A_157 : i32 to vector<512x1024xi32>
    %select_n3A_159 = arith.select %eq3A_156, %iota3A, %broadcast_in_dim3A_158 : vector<512x1024xi1>, vector<512x1024xi32>
    %reduce_min3A_160 = arith.constant dense<2147483647> : vector<512xi32>
    %reduce_min3A_161 = vector.multi_reduction <minsi>, %select_n3A_159, %reduce_min3A_160 [1] : vector<512x1024xi32> to vector<512xi32>
    %broadcast_in_dim3A_162 = vector.shape_cast %reduce_min3A_161 : vector<512xi32> to vector<512x1xi32>
    %add3A_163 = arith.constant 4096 : i32
    %add3A_164 = vector.broadcast %add3A_163 : i32 to vector<512x1xi32>
    %add3A_165 = arith.addi %broadcast_in_dim3A_162, %add3A_164 : vector<512x1xi32>
    %lt3A_166 = arith.cmpf olt, %broadcast_in_dim3A_154, %select_n3A_133 : vector<512x1xf32>
    %select_n3A_167 = arith.select %lt3A_166, %broadcast_in_dim3A_154, %select_n3A_133 : vector<512x1xi1>, vector<512x1xf32>
    %select_n3A_168 = arith.select %lt3A_166, %add3A_165, %select_n3A_134 : vector<512x1xi1>, vector<512x1xi32>
    %get3A_169 = arith.constant 5120 : index
    %get3A_170 = arith.constant 0 : index
    %get3A_171 = vector.load %arg2[%get3A_169, %get3A_170] : memref<8192x256xf32, #tpu.memory_space<vmem>>, vector<1024x256xf32>
    %get3A_172 = arith.constant 0 : index
    %get3A_173 = arith.constant 5120 : index
    %get3A_174 = vector.load %arg3[%get3A_172, %get3A_173] : memref<1x8192xf32, #tpu.memory_space<vmem>>, vector<1x1024xf32>
    %get3A_175 = vector.shape_cast %get3A_174 : vector<1x1024xf32> to vector<1024xf32>
    %broadcast_in_dim3A_176 = vector.shape_cast %get3A_175 : vector<1024xf32> to vector<1x1024xf32>
    %add3A_177 = vector.broadcast %broadcast_in_dim3A : vector<512x1xf32> to vector<512x1024xf32>
    %add3A_178 = vector.broadcast %broadcast_in_dim3A_176 : vector<1x1024xf32> to vector<512x1024xf32>
    %add3A_179 = arith.addf %add3A_177, %add3A_178 : vector<512x1024xf32>
    %dot_general3A_180 = arith.constant dense<0.000000e+00> : vector<512x1024xf32>
    %dot_general3A_181 = tpu.matmul %get3A_1, %get3A_171, %dot_general3A_180 {dimension_numbers = #tpu.dot_dimension_numbers<[1], [1], [0], [0], [0, 0, 1, 0], [], []>, transpose_lhs_hint = false} : vector<512x256xf32>, vector<1024x256xf32>, vector<512x1024xf32> -> vector<512x1024xf32>
    %mul3A_182 = arith.constant 2.000000e+00 : f32
    %mul3A_183 = vector.broadcast %mul3A_182 : f32 to vector<512x1024xf32>
    %mul3A_184 = arith.mulf %mul3A_183, %dot_general3A_181 : vector<512x1024xf32>
    %sub3A_185 = arith.subf %add3A_179, %mul3A_184 : vector<512x1024xf32>
    %reduce_min3A_186 = arith.constant dense<0x7F800000> : vector<512xf32>
    %reduce_min3A_187 = vector.multi_reduction <minimumf>, %sub3A_185, %reduce_min3A_186 [1] : vector<512x1024xf32> to vector<512xf32>
    %broadcast_in_dim3A_188 = vector.shape_cast %reduce_min3A_187 : vector<512xf32> to vector<512x1xf32>
    %eq3A_189 = vector.broadcast %broadcast_in_dim3A_188 : vector<512x1xf32> to vector<512x1024xf32>
    %eq3A_190 = arith.cmpf oeq, %sub3A_185, %eq3A_189 : vector<512x1024xf32>
    %jit3A_191 = arith.constant 8192 : i32
    %broadcast_in_dim3A_192 = vector.broadcast %jit3A_191 : i32 to vector<512x1024xi32>
    %select_n3A_193 = arith.select %eq3A_190, %iota3A, %broadcast_in_dim3A_192 : vector<512x1024xi1>, vector<512x1024xi32>
    %reduce_min3A_194 = arith.constant dense<2147483647> : vector<512xi32>
    %reduce_min3A_195 = vector.multi_reduction <minsi>, %select_n3A_193, %reduce_min3A_194 [1] : vector<512x1024xi32> to vector<512xi32>
    %broadcast_in_dim3A_196 = vector.shape_cast %reduce_min3A_195 : vector<512xi32> to vector<512x1xi32>
    %add3A_197 = arith.constant 5120 : i32
    %add3A_198 = vector.broadcast %add3A_197 : i32 to vector<512x1xi32>
    %add3A_199 = arith.addi %broadcast_in_dim3A_196, %add3A_198 : vector<512x1xi32>
    %lt3A_200 = arith.cmpf olt, %broadcast_in_dim3A_188, %select_n3A_167 : vector<512x1xf32>
    %select_n3A_201 = arith.select %lt3A_200, %broadcast_in_dim3A_188, %select_n3A_167 : vector<512x1xi1>, vector<512x1xf32>
    %select_n3A_202 = arith.select %lt3A_200, %add3A_199, %select_n3A_168 : vector<512x1xi1>, vector<512x1xi32>
    %get3A_203 = arith.constant 6144 : index
    %get3A_204 = arith.constant 0 : index
    %get3A_205 = vector.load %arg2[%get3A_203, %get3A_204] : memref<8192x256xf32, #tpu.memory_space<vmem>>, vector<1024x256xf32>
    %get3A_206 = arith.constant 0 : index
    %get3A_207 = arith.constant 6144 : index
    %get3A_208 = vector.load %arg3[%get3A_206, %get3A_207] : memref<1x8192xf32, #tpu.memory_space<vmem>>, vector<1x1024xf32>
    %get3A_209 = vector.shape_cast %get3A_208 : vector<1x1024xf32> to vector<1024xf32>
    %broadcast_in_dim3A_210 = vector.shape_cast %get3A_209 : vector<1024xf32> to vector<1x1024xf32>
    %add3A_211 = vector.broadcast %broadcast_in_dim3A : vector<512x1xf32> to vector<512x1024xf32>
    %add3A_212 = vector.broadcast %broadcast_in_dim3A_210 : vector<1x1024xf32> to vector<512x1024xf32>
    %add3A_213 = arith.addf %add3A_211, %add3A_212 : vector<512x1024xf32>
    %dot_general3A_214 = arith.constant dense<0.000000e+00> : vector<512x1024xf32>
    %dot_general3A_215 = tpu.matmul %get3A_1, %get3A_205, %dot_general3A_214 {dimension_numbers = #tpu.dot_dimension_numbers<[1], [1], [0], [0], [0, 0, 1, 0], [], []>, transpose_lhs_hint = false} : vector<512x256xf32>, vector<1024x256xf32>, vector<512x1024xf32> -> vector<512x1024xf32>
    %mul3A_216 = arith.constant 2.000000e+00 : f32
    %mul3A_217 = vector.broadcast %mul3A_216 : f32 to vector<512x1024xf32>
    %mul3A_218 = arith.mulf %mul3A_217, %dot_general3A_215 : vector<512x1024xf32>
    %sub3A_219 = arith.subf %add3A_213, %mul3A_218 : vector<512x1024xf32>
    %reduce_min3A_220 = arith.constant dense<0x7F800000> : vector<512xf32>
    %reduce_min3A_221 = vector.multi_reduction <minimumf>, %sub3A_219, %reduce_min3A_220 [1] : vector<512x1024xf32> to vector<512xf32>
    %broadcast_in_dim3A_222 = vector.shape_cast %reduce_min3A_221 : vector<512xf32> to vector<512x1xf32>
    %eq3A_223 = vector.broadcast %broadcast_in_dim3A_222 : vector<512x1xf32> to vector<512x1024xf32>
    %eq3A_224 = arith.cmpf oeq, %sub3A_219, %eq3A_223 : vector<512x1024xf32>
    %jit3A_225 = arith.constant 8192 : i32
    %broadcast_in_dim3A_226 = vector.broadcast %jit3A_225 : i32 to vector<512x1024xi32>
    %select_n3A_227 = arith.select %eq3A_224, %iota3A, %broadcast_in_dim3A_226 : vector<512x1024xi1>, vector<512x1024xi32>
    %reduce_min3A_228 = arith.constant dense<2147483647> : vector<512xi32>
    %reduce_min3A_229 = vector.multi_reduction <minsi>, %select_n3A_227, %reduce_min3A_228 [1] : vector<512x1024xi32> to vector<512xi32>
    %broadcast_in_dim3A_230 = vector.shape_cast %reduce_min3A_229 : vector<512xi32> to vector<512x1xi32>
    %add3A_231 = arith.constant 6144 : i32
    %add3A_232 = vector.broadcast %add3A_231 : i32 to vector<512x1xi32>
    %add3A_233 = arith.addi %broadcast_in_dim3A_230, %add3A_232 : vector<512x1xi32>
    %lt3A_234 = arith.cmpf olt, %broadcast_in_dim3A_222, %select_n3A_201 : vector<512x1xf32>
    %select_n3A_235 = arith.select %lt3A_234, %broadcast_in_dim3A_222, %select_n3A_201 : vector<512x1xi1>, vector<512x1xf32>
    %select_n3A_236 = arith.select %lt3A_234, %add3A_233, %select_n3A_202 : vector<512x1xi1>, vector<512x1xi32>
    %get3A_237 = arith.constant 7168 : index
    %get3A_238 = arith.constant 0 : index
    %get3A_239 = vector.load %arg2[%get3A_237, %get3A_238] : memref<8192x256xf32, #tpu.memory_space<vmem>>, vector<1024x256xf32>
    %get3A_240 = arith.constant 0 : index
    %get3A_241 = arith.constant 7168 : index
    %get3A_242 = vector.load %arg3[%get3A_240, %get3A_241] : memref<1x8192xf32, #tpu.memory_space<vmem>>, vector<1x1024xf32>
    %get3A_243 = vector.shape_cast %get3A_242 : vector<1x1024xf32> to vector<1024xf32>
    %broadcast_in_dim3A_244 = vector.shape_cast %get3A_243 : vector<1024xf32> to vector<1x1024xf32>
    %add3A_245 = vector.broadcast %broadcast_in_dim3A : vector<512x1xf32> to vector<512x1024xf32>
    %add3A_246 = vector.broadcast %broadcast_in_dim3A_244 : vector<1x1024xf32> to vector<512x1024xf32>
    %add3A_247 = arith.addf %add3A_245, %add3A_246 : vector<512x1024xf32>
    %dot_general3A_248 = arith.constant dense<0.000000e+00> : vector<512x1024xf32>
    %dot_general3A_249 = tpu.matmul %get3A_1, %get3A_239, %dot_general3A_248 {dimension_numbers = #tpu.dot_dimension_numbers<[1], [1], [0], [0], [0, 0, 1, 0], [], []>, transpose_lhs_hint = false} : vector<512x256xf32>, vector<1024x256xf32>, vector<512x1024xf32> -> vector<512x1024xf32>
    %mul3A_250 = arith.constant 2.000000e+00 : f32
    %mul3A_251 = vector.broadcast %mul3A_250 : f32 to vector<512x1024xf32>
    %mul3A_252 = arith.mulf %mul3A_251, %dot_general3A_249 : vector<512x1024xf32>
    %sub3A_253 = arith.subf %add3A_247, %mul3A_252 : vector<512x1024xf32>
    %reduce_min3A_254 = arith.constant dense<0x7F800000> : vector<512xf32>
    %reduce_min3A_255 = vector.multi_reduction <minimumf>, %sub3A_253, %reduce_min3A_254 [1] : vector<512x1024xf32> to vector<512xf32>
    %broadcast_in_dim3A_256 = vector.shape_cast %reduce_min3A_255 : vector<512xf32> to vector<512x1xf32>
    %eq3A_257 = vector.broadcast %broadcast_in_dim3A_256 : vector<512x1xf32> to vector<512x1024xf32>
    %eq3A_258 = arith.cmpf oeq, %sub3A_253, %eq3A_257 : vector<512x1024xf32>
    %jit3A_259 = arith.constant 8192 : i32
    %broadcast_in_dim3A_260 = vector.broadcast %jit3A_259 : i32 to vector<512x1024xi32>
    %select_n3A_261 = arith.select %eq3A_258, %iota3A, %broadcast_in_dim3A_260 : vector<512x1024xi1>, vector<512x1024xi32>
    %reduce_min3A_262 = arith.constant dense<2147483647> : vector<512xi32>
    %reduce_min3A_263 = vector.multi_reduction <minsi>, %select_n3A_261, %reduce_min3A_262 [1] : vector<512x1024xi32> to vector<512xi32>
    %broadcast_in_dim3A_264 = vector.shape_cast %reduce_min3A_263 : vector<512xi32> to vector<512x1xi32>
    %add3A_265 = arith.constant 7168 : i32
    %add3A_266 = vector.broadcast %add3A_265 : i32 to vector<512x1xi32>
    %add3A_267 = arith.addi %broadcast_in_dim3A_264, %add3A_266 : vector<512x1xi32>
    %lt3A_268 = arith.cmpf olt, %broadcast_in_dim3A_256, %select_n3A_235 : vector<512x1xf32>
    %select_n3A_269 = arith.select %lt3A_268, %add3A_267, %select_n3A_236 : vector<512x1xi1>, vector<512x1xi32>
    %squeeze3A = vector.shape_cast %select_n3A_269 : vector<512x1xi32> to vector<512xi32>
    %swap3A = arith.constant 0 : index
    %swap3A_270 = arith.constant 0 : index
    %swap3A_271 = arith.constant 0 : index
    %swap3A_272 = vector.load %arg4[%swap3A, %swap3A_270, %swap3A_271] : memref<1x1x512xi32, #tpu.memory_space<vmem>>, vector<1x1x512xi32>
    %swap3A_273 = vector.shape_cast %swap3A_272 : vector<1x1x512xi32> to vector<512xi32>
    %swap3A_274 = vector.shape_cast %squeeze3A : vector<512xi32> to vector<1x1x512xi32>
    tpu.vector_store %arg4[%swap3A, %swap3A_270, %swap3A_271], %swap3A_274 {strides = array<i32>} : memref<1x1x512xi32, #tpu.memory_space<vmem>>, vector<1x1x512xi32>,
    return
  }
  func.func @transform_0(%arg0: i32) -> (i32, i32) {
    %c0_i32 = arith.constant 0 : i32
    %c0_i32_0 = arith.constant 0 : i32
    return %arg0, %c0_i32 : i32, i32
  }
  func.func @transform_1(%arg0: i32) -> (i32, i32) {
    %c0_i32 = arith.constant 0 : i32
    %c0_i32_0 = arith.constant 0 : i32
    %c0_i32_1 = arith.constant 0 : i32
    return %c0_i32, %c0_i32_0 : i32, i32
  }
  func.func @transform_2(%arg0: i32) -> (i32, i32) {
    %c0_i32 = arith.constant 0 : i32
    %c0_i32_0 = arith.constant 0 : i32
    %c0_i32_1 = arith.constant 0 : i32
    return %c0_i32, %c0_i32_0 : i32, i32
  }
  func.func @transform_3(%arg0: i32) -> (i32, i32, i32) {
    %c0_i32 = arith.constant 0 : i32
    %c0_i32_0 = arith.constant 0 : i32
    %c0_i32_1 = arith.constant 0 : i32
    return %arg0, %c0_i32, %c0_i32_0 : i32, i32, i32
  }
}

module attributes {stable_mosaic.version = 14 : i64} {
  func.func @_punique_body(%arg0: i32, %arg1: memref<256x1xi32, #tpu.memory_space<vmem>>, %arg2: memref<256x1xi32, #tpu.memory_space<vmem>>, %arg3: memref<256x1xi32, #tpu.memory_space<vmem>>, %arg4: memref<1x4096xi32, #tpu.memory_space<vmem>>, %arg5: memref<1x4096xi32, #tpu.memory_space<vmem>>, %arg6: memref<1x4096xi32, #tpu.memory_space<vmem>>, %arg7: memref<1x1x128xi32, #tpu.memory_space<vmem>>) attributes {dimension_semantics = [#tpu.dimension_semantics<arbitrary>], iteration_bounds = array<i64: 16>, scalar_prefetch = 0 : i64, scratch_operands = 0 : i64, tpu.core_type = #tpu.core_type<tc>, window_params = [{transform_indices = @transform_0, window_bounds = array<i64: 256, 1>}, {transform_indices = @transform_1, window_bounds = array<i64: 256, 1>}, {transform_indices = @transform_2, window_bounds = array<i64: 256, 1>}, {pipeline_mode = #tpu.pipeline_mode<synchronous>, transform_indices = @transform_3, window_bounds = array<i64: 1, 4096>}, {pipeline_mode = #tpu.pipeline_mode<synchronous>, transform_indices = @transform_4, window_bounds = array<i64: 1, 4096>}, {pipeline_mode = #tpu.pipeline_mode<synchronous>, transform_indices = @transform_5, window_bounds = array<i64: 1, 4096>}, {transform_indices = @transform_6, window_bounds = array<i64: 1, 1, 128>}]} {
    %iota3A = tpu.iota {dimensions = array<i32: 0>} : vector<256x4096xi32>
    %mul3A = arith.constant 256 : i32
    %mul3A_0 = arith.muli %arg0, %mul3A : i32
    %add3A = vector.broadcast %mul3A_0 : i32 to vector<256x4096xi32>
    %add3A_1 = arith.addi %iota3A, %add3A : vector<256x4096xi32>
    %iota3A_2 = tpu.iota {dimensions = array<i32: 1>} : vector<256x4096xi32>
    %get3A = arith.constant 0 : index
    %get3A_3 = arith.constant 0 : index
    %get3A_4 = vector.load %arg1[%get3A, %get3A_3] : memref<256x1xi32, #tpu.memory_space<vmem>>, vector<256x1xi32>
    %get3A_5 = arith.constant 0 : index
    %get3A_6 = arith.constant 0 : index
    %get3A_7 = vector.load %arg4[%get3A_5, %get3A_6] : memref<1x4096xi32, #tpu.memory_space<vmem>>, vector<1x4096xi32>
    %eq3A = vector.broadcast %get3A_4 : vector<256x1xi32> to vector<256x4096xi32>
    %eq3A_8 = vector.broadcast %get3A_7 : vector<1x4096xi32> to vector<256x4096xi32>
    %eq3A_9 = arith.cmpi eq, %eq3A, %eq3A_8 : vector<256x4096xi32>
    %get3A_10 = arith.constant 0 : index
    %get3A_11 = arith.constant 0 : index
    %get3A_12 = vector.load %arg2[%get3A_10, %get3A_11] : memref<256x1xi32, #tpu.memory_space<vmem>>, vector<256x1xi32>
    %get3A_13 = arith.constant 0 : index
    %get3A_14 = arith.constant 0 : index
    %get3A_15 = vector.load %arg5[%get3A_13, %get3A_14] : memref<1x4096xi32, #tpu.memory_space<vmem>>, vector<1x4096xi32>
    %eq3A_16 = vector.broadcast %get3A_12 : vector<256x1xi32> to vector<256x4096xi32>
    %eq3A_17 = vector.broadcast %get3A_15 : vector<1x4096xi32> to vector<256x4096xi32>
    %eq3A_18 = arith.cmpi eq, %eq3A_16, %eq3A_17 : vector<256x4096xi32>
    %and3A = arith.andi %eq3A_9, %eq3A_18 : vector<256x4096xi1>
    %get3A_19 = arith.constant 0 : index
    %get3A_20 = arith.constant 0 : index
    %get3A_21 = vector.load %arg3[%get3A_19, %get3A_20] : memref<256x1xi32, #tpu.memory_space<vmem>>, vector<256x1xi32>
    %get3A_22 = arith.constant 0 : index
    %get3A_23 = arith.constant 0 : index
    %get3A_24 = vector.load %arg6[%get3A_22, %get3A_23] : memref<1x4096xi32, #tpu.memory_space<vmem>>, vector<1x4096xi32>
    %eq3A_25 = vector.broadcast %get3A_21 : vector<256x1xi32> to vector<256x4096xi32>
    %eq3A_26 = vector.broadcast %get3A_24 : vector<1x4096xi32> to vector<256x4096xi32>
    %eq3A_27 = arith.cmpi eq, %eq3A_25, %eq3A_26 : vector<256x4096xi32>
    %and3A_28 = arith.andi %and3A, %eq3A_27 : vector<256x4096xi1>
    %gt3A = arith.cmpi sgt, %iota3A_2, %add3A_1 : vector<256x4096xi32>
    %and3A_29 = arith.andi %and3A_28, %gt3A : vector<256x4096xi1>
    %reduce_or3A = arith.constant 1.000000e+00 : f32
    %reduce_or3A_30 = arith.constant 0.000000e+00 : f32
    %reduce_or3A_31 = vector.broadcast %reduce_or3A : f32 to vector<256x4096xf32>
    %reduce_or3A_32 = vector.broadcast %reduce_or3A_30 : f32 to vector<256x4096xf32>
    %reduce_or3A_33 = arith.select %and3A_29, %reduce_or3A_31, %reduce_or3A_32 : vector<256x4096xi1>, vector<256x4096xf32>
    %reduce_or3A_34 = arith.constant dense<0xFF800000> : vector<256xf32>
    %reduce_or3A_35 = vector.multi_reduction <maximumf>, %reduce_or3A_33, %reduce_or3A_34 [1] : vector<256x4096xf32> to vector<256xf32>
    %reduce_or3A_36 = arith.constant 0.000000e+00 : f32
    %reduce_or3A_37 = vector.broadcast %reduce_or3A_36 : f32 to vector<256xf32>
    %reduce_or3A_38 = arith.cmpf ogt, %reduce_or3A_35, %reduce_or3A_37 : vector<256xf32>
    %convert_element_type3A = arith.extui %reduce_or3A_38 : vector<256xi1> to vector<256xi32>
    %reduce_sum3A = vector.shape_cast %convert_element_type3A : vector<256xi32> to vector<1x256xi32>
    %reduce_sum3A_39 = arith.constant dense<0> : vector<1xi32>
    %reduce_sum3A_40 = vector.multi_reduction <add>, %reduce_sum3A, %reduce_sum3A_39 [1] : vector<1x256xi32> to vector<1xi32>
    %reduce_sum3A_41 = vector.shape_cast %reduce_sum3A_40 : vector<1xi32> to vector<1x1xi32>
    %reduce_sum3A_42 = vector.extract %reduce_sum3A_41[0, 0] : i32 from vector<1x1xi32>
    %broadcast_in_dim3A = vector.broadcast %reduce_sum3A_42 : i32 to vector<128xi32>
    %swap3A = arith.constant 0 : index
    %swap3A_43 = arith.constant 0 : index
    %swap3A_44 = arith.constant 0 : index
    %swap3A_45 = vector.load %arg7[%swap3A, %swap3A_43, %swap3A_44] : memref<1x1x128xi32, #tpu.memory_space<vmem>>, vector<1x1x128xi32>
    %swap3A_46 = vector.shape_cast %swap3A_45 : vector<1x1x128xi32> to vector<128xi32>
    %swap3A_47 = vector.shape_cast %broadcast_in_dim3A : vector<128xi32> to vector<1x1x128xi32>
    tpu.vector_store %arg7[%swap3A, %swap3A_43, %swap3A_44], %swap3A_47 {strides = array<i32>} : memref<1x1x128xi32, #tpu.memory_space<vmem>>, vector<1x1x128xi32>,
    return
  }
  func.func @transform_0(%arg0: i32) -> (i32, i32) {
    %c0_i32 = arith.constant 0 : i32
    %c0_i32_0 = arith.constant 0 : i32
    return %arg0, %c0_i32 : i32, i32
  }
  func.func @transform_1(%arg0: i32) -> (i32, i32) {
    %c0_i32 = arith.constant 0 : i32
    %c0_i32_0 = arith.constant 0 : i32
    return %arg0, %c0_i32 : i32, i32
  }
  func.func @transform_2(%arg0: i32) -> (i32, i32) {
    %c0_i32 = arith.constant 0 : i32
    %c0_i32_0 = arith.constant 0 : i32
    return %arg0, %c0_i32 : i32, i32
  }
  func.func @transform_3(%arg0: i32) -> (i32, i32) {
    %c0_i32 = arith.constant 0 : i32
    %c0_i32_0 = arith.constant 0 : i32
    %c0_i32_1 = arith.constant 0 : i32
    return %c0_i32, %c0_i32_0 : i32, i32
  }
  func.func @transform_4(%arg0: i32) -> (i32, i32) {
    %c0_i32 = arith.constant 0 : i32
    %c0_i32_0 = arith.constant 0 : i32
    %c0_i32_1 = arith.constant 0 : i32
    return %c0_i32, %c0_i32_0 : i32, i32
  }
  func.func @transform_5(%arg0: i32) -> (i32, i32) {
    %c0_i32 = arith.constant 0 : i32
    %c0_i32_0 = arith.constant 0 : i32
    %c0_i32_1 = arith.constant 0 : i32
    return %c0_i32, %c0_i32_0 : i32, i32
  }
  func.func @transform_6(%arg0: i32) -> (i32, i32, i32) {
    %c0_i32 = arith.constant 0 : i32
    %c0_i32_0 = arith.constant 0 : i32
    %c0_i32_1 = arith.constant 0 : i32
    return %arg0, %c0_i32, %c0_i32_0 : i32, i32, i32
  }
}

module attributes {stable_mosaic.version = 14 : i64} {
  func.func @_update_body(%arg0: i32, %arg1: memref<512x256xf32, #tpu.memory_space<vmem>>, %arg2: memref<512x256xf32, #tpu.memory_space<vmem>>, %arg3: memref<512x256xf32, #tpu.memory_space<vmem>>, %arg4: memref<1x1x512xf32, #tpu.memory_space<vmem>>) attributes {dimension_semantics = [#tpu.dimension_semantics<arbitrary>], iteration_bounds = array<i64: 8>, scalar_prefetch = 0 : i64, scratch_operands = 0 : i64, tpu.core_type = #tpu.core_type<tc>, window_params = [{transform_indices = @transform_0, window_bounds = array<i64: 512, 256>}, {transform_indices = @transform_1, window_bounds = array<i64: 512, 256>}, {transform_indices = @transform_2, window_bounds = array<i64: 512, 256>}, {transform_indices = @transform_3, window_bounds = array<i64: 1, 1, 512>}]} {
    %get3A = arith.constant 0 : index
    %get3A_0 = arith.constant 0 : index
    %get3A_1 = vector.load %arg1[%get3A, %get3A_0] : memref<512x256xf32, #tpu.memory_space<vmem>>, vector<512x256xf32>
    %get3A_2 = arith.constant 0 : index
    %get3A_3 = arith.constant 0 : index
    %get3A_4 = vector.load %arg2[%get3A_2, %get3A_3] : memref<512x256xf32, #tpu.memory_space<vmem>>, vector<512x256xf32>
    %sub3A = arith.subf %get3A_1, %get3A_4 : vector<512x256xf32>
    %swap3A = arith.constant 0 : index
    %swap3A_5 = arith.constant 0 : index
    %swap3A_6 = vector.load %arg3[%swap3A, %swap3A_5] : memref<512x256xf32, #tpu.memory_space<vmem>>, vector<512x256xf32>
    tpu.vector_store %arg3[%swap3A, %swap3A_5], %sub3A {strides = array<i32>} : memref<512x256xf32, #tpu.memory_space<vmem>>, vector<512x256xf32>,
    %mul3A = arith.mulf %sub3A, %sub3A : vector<512x256xf32>
    %reduce_sum3A = arith.constant dense<0.000000e+00> : vector<512xf32>
    %reduce_sum3A_7 = vector.multi_reduction <add>, %mul3A, %reduce_sum3A [1] : vector<512x256xf32> to vector<512xf32>
    %mul3A_8 = arith.constant 2.500000e-01 : f32
    %mul3A_9 = vector.broadcast %mul3A_8 : f32 to vector<512xf32>
    %mul3A_10 = arith.mulf %mul3A_9, %reduce_sum3A_7 : vector<512xf32>
    %add3A = arith.addf %reduce_sum3A_7, %mul3A_10 : vector<512xf32>
    %swap3A_11 = arith.constant 0 : index
    %swap3A_12 = arith.constant 0 : index
    %swap3A_13 = arith.constant 0 : index
    %swap3A_14 = vector.load %arg4[%swap3A_11, %swap3A_12, %swap3A_13] : memref<1x1x512xf32, #tpu.memory_space<vmem>>, vector<1x1x512xf32>
    %swap3A_15 = vector.shape_cast %swap3A_14 : vector<1x1x512xf32> to vector<512xf32>
    %swap3A_16 = vector.shape_cast %add3A : vector<512xf32> to vector<1x1x512xf32>
    tpu.vector_store %arg4[%swap3A_11, %swap3A_12, %swap3A_13], %swap3A_16 {strides = array<i32>} : memref<1x1x512xf32, #tpu.memory_space<vmem>>, vector<1x1x512xf32>,
    return
  }
  func.func @transform_0(%arg0: i32) -> (i32, i32) {
    %c0_i32 = arith.constant 0 : i32
    %c0_i32_0 = arith.constant 0 : i32
    return %arg0, %c0_i32 : i32, i32
  }
  func.func @transform_1(%arg0: i32) -> (i32, i32) {
    %c0_i32 = arith.constant 0 : i32
    %c0_i32_0 = arith.constant 0 : i32
    return %arg0, %c0_i32 : i32, i32
  }
  func.func @transform_2(%arg0: i32) -> (i32, i32) {
    %c0_i32 = arith.constant 0 : i32
    %c0_i32_0 = arith.constant 0 : i32
    return %arg0, %c0_i32 : i32, i32
  }
  func.func @transform_3(%arg0: i32) -> (i32, i32, i32) {
    %c0_i32 = arith.constant 0 : i32
    %c0_i32_0 = arith.constant 0 : i32
    %c0_i32_1 = arith.constant 0 : i32
    return %arg0, %c0_i32, %c0_i32_0 : i32, i32, i32
  }
}

module attributes {stable_mosaic.version = 14 : i64} {
  func.func @_decoder_body(%arg0: i32, %arg1: memref<512x768xf32, #tpu.memory_space<vmem>>, %arg2: memref<512x256xf32, #tpu.memory_space<vmem>>, %arg3: memref<512x256xf32, #tpu.memory_space<vmem>>, %arg4: memref<512x256xf32, #tpu.memory_space<vmem>>, %arg5: memref<1x1x512xf32, #tpu.memory_space<vmem>>, %arg6: memref<1x1x512xf32, #tpu.memory_space<vmem>>, %arg7: memref<1x1x512xf32, #tpu.memory_space<vmem>>, %arg8: memref<256x256xf32, #tpu.memory_space<vmem>>, %arg9: memref<1x256xf32, #tpu.memory_space<vmem>>, %arg10: memref<256x512xf32, #tpu.memory_space<vmem>>, %arg11: memref<1x512xf32, #tpu.memory_space<vmem>>, %arg12: memref<512x768xf32, #tpu.memory_space<vmem>>, %arg13: memref<1x768xf32, #tpu.memory_space<vmem>>, %arg14: memref<1x3x512xf32, #tpu.memory_space<vmem>>, %arg15: memref<1x1x128xf32, #tpu.memory_space<vmem>>, %arg16: memref<1x1x128xf32, #tpu.memory_space<vmem>>) attributes {dimension_semantics = [#tpu.dimension_semantics<arbitrary>], iteration_bounds = array<i64: 8>, scalar_prefetch = 0 : i64, scratch_operands = 0 : i64, tpu.core_type = #tpu.core_type<tc>, window_params = [{transform_indices = @transform_0, window_bounds = array<i64: 512, 768>}, {transform_indices = @transform_1, window_bounds = array<i64: 512, 256>}, {transform_indices = @transform_2, window_bounds = array<i64: 512, 256>}, {transform_indices = @transform_3, window_bounds = array<i64: 512, 256>}, {transform_indices = @transform_4, window_bounds = array<i64: 1, 1, 512>}, {transform_indices = @transform_5, window_bounds = array<i64: 1, 1, 512>}, {transform_indices = @transform_6, window_bounds = array<i64: 1, 1, 512>}, {pipeline_mode = #tpu.pipeline_mode<synchronous>, transform_indices = @transform_7, window_bounds = array<i64: 256, 256>}, {pipeline_mode = #tpu.pipeline_mode<synchronous>, transform_indices = @transform_8, window_bounds = array<i64: 1, 256>}, {pipeline_mode = #tpu.pipeline_mode<synchronous>, transform_indices = @transform_9, window_bounds = array<i64: 256, 512>}, {pipeline_mode = #tpu.pipeline_mode<synchronous>, transform_indices = @transform_10, window_bounds = array<i64: 1, 512>}, {pipeline_mode = #tpu.pipeline_mode<synchronous>, transform_indices = @transform_11, window_bounds = array<i64: 512, 768>}, {pipeline_mode = #tpu.pipeline_mode<synchronous>, transform_indices = @transform_12, window_bounds = array<i64: 1, 768>}, {transform_indices = @transform_13, window_bounds = array<i64: 1, 3, 512>}, {transform_indices = @transform_14, window_bounds = array<i64: 1, 1, 128>}, {transform_indices = @transform_15, window_bounds = array<i64: 1, 1, 128>}]} {
    %get3A = arith.constant 0 : index
    %get3A_0 = arith.constant 0 : index
    %get3A_1 = vector.load %arg2[%get3A, %get3A_0] : memref<512x256xf32, #tpu.memory_space<vmem>>, vector<512x256xf32>
    %get3A_2 = arith.constant 0 : index
    %get3A_3 = arith.constant 0 : index
    %get3A_4 = vector.load %arg3[%get3A_2, %get3A_3] : memref<512x256xf32, #tpu.memory_space<vmem>>, vector<512x256xf32>
    %add3A = arith.addf %get3A_1, %get3A_4 : vector<512x256xf32>
    %get3A_5 = arith.constant 0 : index
    %get3A_6 = arith.constant 0 : index
    %get3A_7 = vector.load %arg4[%get3A_5, %get3A_6] : memref<512x256xf32, #tpu.memory_space<vmem>>, vector<512x256xf32>
    %add3A_8 = arith.addf %add3A, %get3A_7 : vector<512x256xf32>
    %get3A_9 = arith.constant 0 : index
    %get3A_10 = arith.constant 0 : index
    %get3A_11 = vector.load %arg8[%get3A_9, %get3A_10] : memref<256x256xf32, #tpu.memory_space<vmem>>, vector<256x256xf32>
    %dot_general3A = arith.constant dense<0.000000e+00> : vector<512x256xf32>
    %dot_general3A_12 = tpu.matmul %add3A_8, %get3A_11, %dot_general3A {dimension_numbers = #tpu.dot_dimension_numbers<[1], [0], [0], [1], [0, 0, 1, 1], [], []>, precision = #tpu.contract_precision<fp32>, transpose_lhs_hint = false} : vector<512x256xf32>, vector<256x256xf32>, vector<512x256xf32> -> vector<512x256xf32>
    %get3A_13 = arith.constant 0 : index
    %get3A_14 = arith.constant 0 : index
    %get3A_15 = vector.load %arg9[%get3A_13, %get3A_14] : memref<1x256xf32, #tpu.memory_space<vmem>>, vector<1x256xf32>
    %add3A_16 = vector.broadcast %get3A_15 : vector<1x256xf32> to vector<512x256xf32>
    %add3A_17 = arith.addf %dot_general3A_12, %add3A_16 : vector<512x256xf32>
    %logistic3A = arith.negf %add3A_17 : vector<512x256xf32>
    %logistic3A_18 = math.exp %logistic3A : vector<512x256xf32>
    %logistic3A_19 = arith.constant 1.000000e+00 : f32
    %logistic3A_20 = vector.broadcast %logistic3A_19 : f32 to vector<512x256xf32>
    %logistic3A_21 = arith.addf %logistic3A_20, %logistic3A_18 : vector<512x256xf32>
    %logistic3A_22 = arith.divf %logistic3A_20, %logistic3A_21 : vector<512x256xf32>
    %mul3A = arith.mulf %add3A_17, %logistic3A_22 : vector<512x256xf32>
    %get3A_23 = arith.constant 0 : index
    %get3A_24 = arith.constant 0 : index
    %get3A_25 = vector.load %arg10[%get3A_23, %get3A_24] : memref<256x512xf32, #tpu.memory_space<vmem>>, vector<256x512xf32>
    %dot_general3A_26 = arith.constant dense<0.000000e+00> : vector<512x512xf32>
    %dot_general3A_27 = tpu.matmul %mul3A, %get3A_25, %dot_general3A_26 {dimension_numbers = #tpu.dot_dimension_numbers<[1], [0], [0], [1], [0, 0, 1, 1], [], []>, precision = #tpu.contract_precision<fp32>, transpose_lhs_hint = false} : vector<512x256xf32>, vector<256x512xf32>, vector<512x512xf32> -> vector<512x512xf32>
    %get3A_28 = arith.constant 0 : index
    %get3A_29 = arith.constant 0 : index
    %get3A_30 = vector.load %arg11[%get3A_28, %get3A_29] : memref<1x512xf32, #tpu.memory_space<vmem>>, vector<1x512xf32>
    %add3A_31 = vector.broadcast %get3A_30 : vector<1x512xf32> to vector<512x512xf32>
    %add3A_32 = arith.addf %dot_general3A_27, %add3A_31 : vector<512x512xf32>
    %logistic3A_33 = arith.negf %add3A_32 : vector<512x512xf32>
    %logistic3A_34 = math.exp %logistic3A_33 : vector<512x512xf32>
    %logistic3A_35 = arith.constant 1.000000e+00 : f32
    %logistic3A_36 = vector.broadcast %logistic3A_35 : f32 to vector<512x512xf32>
    %logistic3A_37 = arith.addf %logistic3A_36, %logistic3A_34 : vector<512x512xf32>
    %logistic3A_38 = arith.divf %logistic3A_36, %logistic3A_37 : vector<512x512xf32>
    %mul3A_39 = arith.mulf %add3A_32, %logistic3A_38 : vector<512x512xf32>
    %get3A_40 = arith.constant 0 : index
    %get3A_41 = arith.constant 0 : index
    %get3A_42 = vector.load %arg12[%get3A_40, %get3A_41] : memref<512x768xf32, #tpu.memory_space<vmem>>, vector<512x768xf32>
    %dot_general3A_43 = arith.constant dense<0.000000e+00> : vector<512x768xf32>
    %dot_general3A_44 = tpu.matmul %mul3A_39, %get3A_42, %dot_general3A_43 {dimension_numbers = #tpu.dot_dimension_numbers<[1], [0], [0], [1], [0, 0, 1, 1], [], []>, precision = #tpu.contract_precision<fp32>, transpose_lhs_hint = false} : vector<512x512xf32>, vector<512x768xf32>, vector<512x768xf32> -> vector<512x768xf32>
    %get3A_45 = arith.constant 0 : index
    %get3A_46 = arith.constant 0 : index
    %get3A_47 = vector.load %arg13[%get3A_45, %get3A_46] : memref<1x768xf32, #tpu.memory_space<vmem>>, vector<1x768xf32>
    %add3A_48 = vector.broadcast %get3A_47 : vector<1x768xf32> to vector<512x768xf32>
    %add3A_49 = arith.addf %dot_general3A_44, %add3A_48 : vector<512x768xf32>
    %logistic3A_50 = arith.negf %add3A_49 : vector<512x768xf32>
    %logistic3A_51 = math.exp %logistic3A_50 : vector<512x768xf32>
    %logistic3A_52 = arith.constant 1.000000e+00 : f32
    %logistic3A_53 = vector.broadcast %logistic3A_52 : f32 to vector<512x768xf32>
    %logistic3A_54 = arith.addf %logistic3A_53, %logistic3A_51 : vector<512x768xf32>
    %logistic3A_55 = arith.divf %logistic3A_53, %logistic3A_54 : vector<512x768xf32>
    %mul3A_56 = arith.mulf %logistic3A_55, %logistic3A_55 : vector<512x768xf32>
    %reduce_sum3A = arith.constant dense<0.000000e+00> : vector<512xf32>
    %reduce_sum3A_57 = vector.multi_reduction <add>, %mul3A_56, %reduce_sum3A [1] : vector<512x768xf32> to vector<512xf32>
    %broadcast_in_dim3A = vector.shape_cast %reduce_sum3A_57 : vector<512xf32> to vector<512x1xf32>
    %sqrt3A = math.sqrt %broadcast_in_dim3A : vector<512x1xf32>
    %max3A = arith.constant 9.99999996E-13 : f32
    %max3A_58 = vector.broadcast %max3A : f32 to vector<512x1xf32>
    %max3A_59 = arith.maximumf %sqrt3A, %max3A_58 : vector<512x1xf32>
    %div3A = vector.broadcast %max3A_59 : vector<512x1xf32> to vector<512x768xf32>
    %div3A_60 = arith.divf %logistic3A_55, %div3A : vector<512x768xf32>
    %get3A_61 = arith.constant 0 : index
    %get3A_62 = arith.constant 0 : index
    %get3A_63 = vector.load %arg1[%get3A_61, %get3A_62] : memref<512x768xf32, #tpu.memory_space<vmem>>, vector<512x768xf32>
    %sub3A = arith.subf %div3A_60, %get3A_63 : vector<512x768xf32>
    %mul3A_64 = arith.mulf %sub3A, %sub3A : vector<512x768xf32>
    %reduce_sum3A_65 = vector.shape_cast %mul3A_64 : vector<512x768xf32> to vector<1x512x768xf32>
    %reduce_sum3A_66 = arith.constant dense<0.000000e+00> : vector<1xf32>
    %reduce_sum3A_67 = vector.multi_reduction <add>, %reduce_sum3A_65, %reduce_sum3A_66 [1, 2] : vector<1x512x768xf32> to vector<1xf32>
    %reduce_sum3A_68 = vector.shape_cast %reduce_sum3A_67 : vector<1xf32> to vector<1x1x1xf32>
    %reduce_sum3A_69 = vector.extract %reduce_sum3A_68[0, 0, 0] : f32 from vector<1x1x1xf32>
    %broadcast_in_dim3A_70 = vector.broadcast %reduce_sum3A_69 : f32 to vector<128xf32>
    %swap3A = arith.constant 0 : index
    %swap3A_71 = arith.constant 0 : index
    %swap3A_72 = arith.constant 0 : index
    %swap3A_73 = vector.load %arg15[%swap3A, %swap3A_71, %swap3A_72] : memref<1x1x128xf32, #tpu.memory_space<vmem>>, vector<1x1x128xf32>
    %swap3A_74 = vector.shape_cast %swap3A_73 : vector<1x1x128xf32> to vector<128xf32>
    %swap3A_75 = vector.shape_cast %broadcast_in_dim3A_70 : vector<128xf32> to vector<1x1x128xf32>
    tpu.vector_store %arg15[%swap3A, %swap3A_71, %swap3A_72], %swap3A_75 {strides = array<i32>} : memref<1x1x128xf32, #tpu.memory_space<vmem>>, vector<1x1x128xf32>,
    %get3A_76 = arith.constant 0 : index
    %get3A_77 = arith.constant 0 : index
    %get3A_78 = arith.constant 0 : index
    %get3A_79 = vector.load %arg5[%get3A_76, %get3A_77, %get3A_78] : memref<1x1x512xf32, #tpu.memory_space<vmem>>, vector<1x1x512xf32>
    %get3A_80 = vector.shape_cast %get3A_79 : vector<1x1x512xf32> to vector<512xf32>
    %get3A_81 = arith.constant 0 : index
    %get3A_82 = arith.constant 0 : index
    %get3A_83 = arith.constant 0 : index
    %get3A_84 = vector.load %arg6[%get3A_81, %get3A_82, %get3A_83] : memref<1x1x512xf32, #tpu.memory_space<vmem>>, vector<1x1x512xf32>
    %get3A_85 = vector.shape_cast %get3A_84 : vector<1x1x512xf32> to vector<512xf32>
    %add3A_86 = arith.addf %get3A_80, %get3A_85 : vector<512xf32>
    %get3A_87 = arith.constant 0 : index
    %get3A_88 = arith.constant 0 : index
    %get3A_89 = arith.constant 0 : index
    %get3A_90 = vector.load %arg7[%get3A_87, %get3A_88, %get3A_89] : memref<1x1x512xf32, #tpu.memory_space<vmem>>, vector<1x1x512xf32>
    %get3A_91 = vector.shape_cast %get3A_90 : vector<1x1x512xf32> to vector<512xf32>
    %add3A_92 = arith.addf %add3A_86, %get3A_91 : vector<512xf32>
    %reduce_sum3A_93 = vector.shape_cast %add3A_92 : vector<512xf32> to vector<1x512xf32>
    %reduce_sum3A_94 = arith.constant dense<0.000000e+00> : vector<1xf32>
    %reduce_sum3A_95 = vector.multi_reduction <add>, %reduce_sum3A_93, %reduce_sum3A_94 [1] : vector<1x512xf32> to vector<1xf32>
    %reduce_sum3A_96 = vector.shape_cast %reduce_sum3A_95 : vector<1xf32> to vector<1x1xf32>
    %reduce_sum3A_97 = vector.extract %reduce_sum3A_96[0, 0] : f32 from vector<1x1xf32>
    %broadcast_in_dim3A_98 = vector.broadcast %reduce_sum3A_97 : f32 to vector<128xf32>
    %swap3A_99 = arith.constant 0 : index
    %swap3A_100 = arith.constant 0 : index
    %swap3A_101 = arith.constant 0 : index
    %swap3A_102 = vector.load %arg16[%swap3A_99, %swap3A_100, %swap3A_101] : memref<1x1x128xf32, #tpu.memory_space<vmem>>, vector<1x1x128xf32>
    %swap3A_103 = vector.shape_cast %swap3A_102 : vector<1x1x128xf32> to vector<128xf32>
    %swap3A_104 = vector.shape_cast %broadcast_in_dim3A_98 : vector<128xf32> to vector<1x1x128xf32>
    tpu.vector_store %arg16[%swap3A_99, %swap3A_100, %swap3A_101], %swap3A_104 {strides = array<i32>} : memref<1x1x128xf32, #tpu.memory_space<vmem>>, vector<1x1x128xf32>,
    %get3A_105 = arith.constant 0 : index
    %get3A_106 = arith.constant 0 : index
    %get3A_107 = vector.load %arg2[%get3A_105, %get3A_106] : memref<512x256xf32, #tpu.memory_space<vmem>>, vector<512x256xf32>
    %mul3A_108 = arith.mulf %get3A_107, %get3A_107 : vector<512x256xf32>
    %reduce_sum3A_109 = arith.constant dense<0.000000e+00> : vector<512xf32>
    %reduce_sum3A_110 = vector.multi_reduction <add>, %mul3A_108, %reduce_sum3A_109 [1] : vector<512x256xf32> to vector<512xf32>
    %sqrt3A_111 = math.sqrt %reduce_sum3A_110 : vector<512xf32>
    %swap3A_112 = arith.constant 0 : index
    %swap3A_113 = arith.constant 0 : index
    %swap3A_114 = arith.constant 0 : index
    %swap3A_115 = vector.load %arg14[%swap3A_112, %swap3A_113, %swap3A_114] : memref<1x3x512xf32, #tpu.memory_space<vmem>>, vector<1x1x512xf32>
    %swap3A_116 = vector.shape_cast %swap3A_115 : vector<1x1x512xf32> to vector<512xf32>
    %swap3A_117 = vector.shape_cast %sqrt3A_111 : vector<512xf32> to vector<1x1x512xf32>
    tpu.vector_store %arg14[%swap3A_112, %swap3A_113, %swap3A_114], %swap3A_117 {strides = array<i32>} : memref<1x3x512xf32, #tpu.memory_space<vmem>>, vector<1x1x512xf32>,
    %get3A_118 = arith.constant 0 : index
    %get3A_119 = arith.constant 0 : index
    %get3A_120 = vector.load %arg3[%get3A_118, %get3A_119] : memref<512x256xf32, #tpu.memory_space<vmem>>, vector<512x256xf32>
    %mul3A_121 = arith.mulf %get3A_120, %get3A_120 : vector<512x256xf32>
    %reduce_sum3A_122 = arith.constant dense<0.000000e+00> : vector<512xf32>
    %reduce_sum3A_123 = vector.multi_reduction <add>, %mul3A_121, %reduce_sum3A_122 [1] : vector<512x256xf32> to vector<512xf32>
    %sqrt3A_124 = math.sqrt %reduce_sum3A_123 : vector<512xf32>
    %swap3A_125 = arith.constant 0 : index
    %swap3A_126 = arith.constant 1 : index
    %swap3A_127 = arith.constant 0 : index
    %swap3A_128 = vector.load %arg14[%swap3A_125, %swap3A_126, %swap3A_127] : memref<1x3x512xf32, #tpu.memory_space<vmem>>, vector<1x1x512xf32>
    %swap3A_129 = vector.shape_cast %swap3A_128 : vector<1x1x512xf32> to vector<512xf32>
    %swap3A_130 = vector.shape_cast %sqrt3A_124 : vector<512xf32> to vector<1x1x512xf32>
    tpu.vector_store %arg14[%swap3A_125, %swap3A_126, %swap3A_127], %swap3A_130 {strides = array<i32>} : memref<1x3x512xf32, #tpu.memory_space<vmem>>, vector<1x1x512xf32>,
    %get3A_131 = arith.constant 0 : index
    %get3A_132 = arith.constant 0 : index
    %get3A_133 = vector.load %arg4[%get3A_131, %get3A_132] : memref<512x256xf32, #tpu.memory_space<vmem>>, vector<512x256xf32>
    %mul3A_134 = arith.mulf %get3A_133, %get3A_133 : vector<512x256xf32>
    %reduce_sum3A_135 = arith.constant dense<0.000000e+00> : vector<512xf32>
    %reduce_sum3A_136 = vector.multi_reduction <add>, %mul3A_134, %reduce_sum3A_135 [1] : vector<512x256xf32> to vector<512xf32>
    %sqrt3A_137 = math.sqrt %reduce_sum3A_136 : vector<512xf32>
    %swap3A_138 = arith.constant 0 : index
    %swap3A_139 = arith.constant 2 : index
    %swap3A_140 = arith.constant 0 : index
    %swap3A_141 = vector.load %arg14[%swap3A_138, %swap3A_139, %swap3A_140] : memref<1x3x512xf32, #tpu.memory_space<vmem>>, vector<1x1x512xf32>
    %swap3A_142 = vector.shape_cast %swap3A_141 : vector<1x1x512xf32> to vector<512xf32>
    %swap3A_143 = vector.shape_cast %sqrt3A_137 : vector<512xf32> to vector<1x1x512xf32>
    tpu.vector_store %arg14[%swap3A_138, %swap3A_139, %swap3A_140], %swap3A_143 {strides = array<i32>} : memref<1x3x512xf32, #tpu.memory_space<vmem>>, vector<1x1x512xf32>,
    return
  }
  func.func @transform_0(%arg0: i32) -> (i32, i32) {
    %c0_i32 = arith.constant 0 : i32
    %c0_i32_0 = arith.constant 0 : i32
    return %arg0, %c0_i32 : i32, i32
  }
  func.func @transform_1(%arg0: i32) -> (i32, i32) {
    %c0_i32 = arith.constant 0 : i32
    %c0_i32_0 = arith.constant 0 : i32
    return %arg0, %c0_i32 : i32, i32
  }
  func.func @transform_2(%arg0: i32) -> (i32, i32) {
    %c0_i32 = arith.constant 0 : i32
    %c0_i32_0 = arith.constant 0 : i32
    return %arg0, %c0_i32 : i32, i32
  }
  func.func @transform_3(%arg0: i32) -> (i32, i32) {
    %c0_i32 = arith.constant 0 : i32
    %c0_i32_0 = arith.constant 0 : i32
    return %arg0, %c0_i32 : i32, i32
  }
  func.func @transform_4(%arg0: i32) -> (i32, i32, i32) {
    %c0_i32 = arith.constant 0 : i32
    %c0_i32_0 = arith.constant 0 : i32
    %c0_i32_1 = arith.constant 0 : i32
    return %arg0, %c0_i32, %c0_i32_0 : i32, i32, i32
  }
  func.func @transform_5(%arg0: i32) -> (i32, i32, i32) {
    %c0_i32 = arith.constant 0 : i32
    %c0_i32_0 = arith.constant 0 : i32
    %c0_i32_1 = arith.constant 0 : i32
    return %arg0, %c0_i32, %c0_i32_0 : i32, i32, i32
  }
  func.func @transform_6(%arg0: i32) -> (i32, i32, i32) {
    %c0_i32 = arith.constant 0 : i32
    %c0_i32_0 = arith.constant 0 : i32
    %c0_i32_1 = arith.constant 0 : i32
    return %arg0, %c0_i32, %c0_i32_0 : i32, i32, i32
  }
  func.func @transform_7(%arg0: i32) -> (i32, i32) {
    %c0_i32 = arith.constant 0 : i32
    %c0_i32_0 = arith.constant 0 : i32
    %c0_i32_1 = arith.constant 0 : i32
    return %c0_i32, %c0_i32_0 : i32, i32
  }
  func.func @transform_8(%arg0: i32) -> (i32, i32) {
    %c0_i32 = arith.constant 0 : i32
    %c0_i32_0 = arith.constant 0 : i32
    %c0_i32_1 = arith.constant 0 : i32
    return %c0_i32, %c0_i32_0 : i32, i32
  }
  func.func @transform_9(%arg0: i32) -> (i32, i32) {
    %c0_i32 = arith.constant 0 : i32
    %c0_i32_0 = arith.constant 0 : i32
    %c0_i32_1 = arith.constant 0 : i32
    return %c0_i32, %c0_i32_0 : i32, i32
  }
  func.func @transform_10(%arg0: i32) -> (i32, i32) {
    %c0_i32 = arith.constant 0 : i32
    %c0_i32_0 = arith.constant 0 : i32
    %c0_i32_1 = arith.constant 0 : i32
    return %c0_i32, %c0_i32_0 : i32, i32
  }
  func.func @transform_11(%arg0: i32) -> (i32, i32) {
    %c0_i32 = arith.constant 0 : i32
    %c0_i32_0 = arith.constant 0 : i32
    %c0_i32_1 = arith.constant 0 : i32
    return %c0_i32, %c0_i32_0 : i32, i32
  }
  func.func @transform_12(%arg0: i32) -> (i32, i32) {
    %c0_i32 = arith.constant 0 : i32
    %c0_i32_0 = arith.constant 0 : i32
    %c0_i32_1 = arith.constant 0 : i32
    return %c0_i32, %c0_i32_0 : i32, i32
  }
  func.func @transform_13(%arg0: i32) -> (i32, i32, i32) {
    %c0_i32 = arith.constant 0 : i32
    %c0_i32_0 = arith.constant 0 : i32
    %c0_i32_1 = arith.constant 0 : i32
    return %arg0, %c0_i32, %c0_i32_0 : i32, i32, i32
  }
  func.func @transform_14(%arg0: i32) -> (i32, i32, i32) {
    %c0_i32 = arith.constant 0 : i32
    %c0_i32_0 = arith.constant 0 : i32
    %c0_i32_1 = arith.constant 0 : i32
    return %arg0, %c0_i32, %c0_i32_0 : i32, i32, i32
  }
  func.func @transform_15(%arg0: i32) -> (i32, i32, i32) {
    %c0_i32 = arith.constant 0 : i32
    %c0_i32_0 = arith.constant 0 : i32
    %c0_i32_1 = arith.constant 0 : i32
    return %arg0, %c0_i32, %c0_i32_0 : i32, i32, i32
  }
}

</mosaic_0001>

<sc_bundles>
// kernel: kernel.15.cloned.1.call-start
scs
__scs_entry_jumppad:
0x0: {  	(pc) =	sbr.rel $0x88, $3  }
0x1: {  	(tag) =	ssettag $0x0;
	lr =	simm.s32 $0x1  }
0x2: {  	[smem:$0x3F8E] =	sst lr;
	_ =	strace $0xD0000000  }
0x3: {  	_ = 	snop  }
0x4: {  	_ = 	snop  }
0x5: {  	_ = 	snop  }
0x6: {  	_ = 	snop  }
0x7: {  	_ = 	snop  }
__scs_overlays_trampoline_lowered:
0x8: {  	[smem:$0x3F9D] =	sst s0  }
0x9: {  	[smem:$0x3F9E] =	sst s1  }
0xa: {  	[smem:$0x3F9F] =	sst s2  }
0xb: {  	[smem:$0x3FA0] =	sst s3  }
0xc: {  	[smem:$0x3FA1] =	sst s4  }
0xd: {  	[smem:$0x3FA2] =	sst s5  }
0xe: {  	[smem:$0x3FA3] =	sst s6  }
0xf: {  	[smem:$0x3FA4] =	sst s7  }
0x10: {  	[smem:$0x3FA5] =	sst s8  }
0x11: {  	[smem:$0x3FA6] =	sst s9;
	s0 =	simm.s32 @!p0 $0x0  }
0x12: {  	s1 =	sld [smem:$0x3F8C];
	s0 =	simm.s32 @p0 $0x1  }
0x13: {  	[smem:$0x3FA7] =	sst s0;
	s0 =	simm.s32 @!p1 $0x0  }
0x14: {  	s2 =	sld [smem:$0x3F8B];
	s0 =	simm.s32 @p1 $0x1  }
0x15: {  	[smem:$0x3FA8] =	sst s0;
	s0 =	simm.s32 @!p2 $0x0  }
0x16: {  	s3 =	sld [smem:$0x3FDB];
	s0 =	simm.s32 @p2 $0x1  }
0x17: {  	s4 =	simm.s32 $0x1BF5;
	[smem:$0x3FAA] =	sst s0  }
0x18: {  	s0 =	sld [smem:$0x3F8D];
	_ =	swait.ge [sflag:s4], $0x0  }
0x19: {  	s7 =	sld [smem:$0x3F8E]  }
0x1a: {  	s8 =	sadd.s32 $0xFFFFE003, lr  }
0x1b: {  	s9 =	sadd.s32 $0xFFFFFEF7, lr;
	s5 =	simm.s32 $0xFFFFFFFF;
	p2 =	slt.u32 s8, $0xFFFFF086  }
0x1c: {  	p1 =	slt.u32 s9, $0xF7A;
	s5 =	simm.s32 @!p2 $0x0  }
0x1d: {  	s5 =	simm.s32 @p1 $0x1;
	p0 =	seq.s32 s7, s2  }
0x1e: {  	s7 =	smul.u32 @!p0 $0xF7A, s2;
	p2 =	seq.s32 @!p0 s5, $0x0  }
0x1f: {  	s9 =	smul.u32 $0xF7A, s1;
	s8 =	simm.s32 @!p0 $0x1BF5;
	p2 =	por !p2, p0  }
0x20: {  	[sflag:s8] =	ssyncset.s32 @!p0 $0xFFFFF086;
	s6 =	sadd.s32 @!p0 s3, s7;
	s7 =	simm.s32 @!p0 $0x108  }
0x21: {  	s3 =	sadd.s32 s3, s9;
	s6 =	sadd.s32 @!p0 $0x88, s6;
	s7 =	simm.s32 @p2 $0x1082  }
0x22: {  	[simem:s7], [sflag:s8] =	dma.local @!p0 [hbm:s6], $0xF7A  }
0x23: {  	s9 =	sor.u32 $0xD0000000, s2;
	s6 =	simm.s32 $0x108;
	_ =	swait.ge @!p0 [sflag:s8], $0x0  }
0x24: {  	s3 =	sadd.s32 $0x88, s3;
	s6 =	simm.s32 @!p1 $0x1082;
	[sflag:s4] =	ssyncset.s32 $0xFFFFF086  }
0x25: {  	[simem:s6], [sflag:s4] =	dma.local [hbm:s3], $0xF7A  }
0x26: {  	[smem:$0x3F8E] =	sst s1;
	(tag) =	ssettag s2;
	_ =	strace s9  }
0x27: {  	s1 =	sld [smem:$0x3F9E]  }
0x28: {  	s2 =	sld [smem:$0x3F9F]  }
0x29: {  	s4 =	sld [smem:$0x3FA1]  }
0x2a: {  	p0 =	seq.s32 s5, $0x0;
	s5 =	sld [smem:$0x3FA2]  }
0x2b: {  	s6 =	sld [smem:$0x3FA3]  }
0x2c: {  	s7 =	sld [smem:$0x3FA4]  }
0x2d: {  	s3 =	simm.s32 $0x108;
	s8 =	sld [smem:$0x3FA5]  }
0x2e: {  	s3 =	simm.s32 @!p0 $0x1082;
	s9 =	sld [smem:$0x3FA6]  }
0x2f: {  	lr =	sadd.s32 s0, s3;
	s0 =	sld [smem:$0x3F9D]  }
0x30: {  	s3 =	sld [smem:$0x3FA0]  }
0x31: {  	[smem:$0x3FA9] =	sst s10  }
0x32: {  	s10 =	sld [smem:$0x3FA7];
	_ =	sdelay $0x3  }
0x33: {  	p0 =	seq.s32 s10, $0x1;
	s10 =	sld [smem:$0x3FA9];
	_ =	sdelay $0x3  }
0x34: {  	[smem:$0x3FA9] =	sst s10  }
0x35: {  	s10 =	sld [smem:$0x3FA8];
	_ =	sdelay $0x3  }
0x36: {  	p1 =	seq.s32 s10, $0x1;
	s10 =	sld [smem:$0x3FA9];
	_ =	sdelay $0x3  }
0x37: {  	[smem:$0x3FA9] =	sst s10  }
0x38: {  	s10 =	sld [smem:$0x3FAA]  }
0x39: {  	_ = 	snop;
	(pc) =	sbr.ind lr, $3  }
0x3a: {  	_ = 	snop  }
0x3b: {  	_ = 	snop  }
0x3c: {  	p2 =	seq.s32 s10, $0x1;
	s10 =	sld [smem:$0x3FA9]  }
0x3d: {  	_ =	shalt  }
0x3e: {  	_ =	shalt  }
0x3f: {  	_ =	shalt  }
0x40: {  	_ =	shalt  }
0x41: {  	_ =	shalt  }
0x42: {  	_ =	shalt  }
0x43: {  	_ =	shalt  }
0x44: {  	_ =	shalt  }
0x45: {  	_ =	shalt  }
0x46: {  	_ =	shalt  }
0x47: {  	_ =	shalt  }
0x48: {  	_ =	shalt  }
0x49: {  	_ =	shalt  }
0x4a: {  	_ =	shalt  }
0x4b: {  	_ =	shalt  }
0x4c: {  	_ =	shalt  }
0x4d: {  	_ =	shalt  }
0x4e: {  	_ =	shalt  }
0x4f: {  	_ =	shalt  }
0x50: {  	_ =	shalt  }
0x51: {  	_ =	shalt  }
0x52: {  	_ =	shalt  }
0x53: {  	_ =	shalt  }
0x54: {  	_ =	shalt  }
0x55: {  	_ =	shalt  }
0x56: {  	_ =	shalt  }
0x57: {  	_ =	shalt  }
0x58: {  	_ =	shalt  }
0x59: {  	_ =	shalt  }
0x5a: {  	_ =	shalt  }
0x5b: {  	_ =	shalt  }
0x5c: {  	_ =	shalt  }
0x5d: {  	_ =	shalt  }
0x5e: {  	_ =	shalt  }
0x5f: {  	_ =	shalt  }
0x60: {  	_ =	shalt  }
0x61: {  	_ =	shalt  }
0x62: {  	_ =	shalt  }
0x63: {  	_ =	shalt  }
0x64: {  	_ =	shalt  }
0x65: {  	_ =	shalt  }
0x66: {  	_ =	shalt  }
0x67: {  	_ =	shalt  }
0x68: {  	_ =	shalt  }
0x69: {  	_ =	shalt  }
0x6a: {  	_ =	shalt  }
0x6b: {  	_ =	shalt  }
0x6c: {  	_ =	shalt  }
0x6d: {  	_ =	shalt  }
0x6e: {  	_ =	shalt  }
0x6f: {  	_ =	shalt  }
0x70: {  	_ =	shalt  }
0x71: {  	_ =	shalt  }
0x72: {  	_ =	shalt  }
0x73: {  	_ =	shalt  }
0x74: {  	_ =	shalt  }
0x75: {  	_ =	shalt  }
0x76: {  	_ =	shalt  }
0x77: {  	_ =	shalt  }
0x78: {  	_ =	shalt  }
0x79: {  	_ =	shalt  }
0x7a: {  	_ =	shalt  }
0x7b: {  	_ =	shalt  }
0x7c: {  	_ =	shalt  }
0x7d: {  	_ =	shalt  }
0x7e: {  	_ =	shalt  }
0x7f: {  	_ =	shalt  }
0x80: {  	_ =	shalt  }
0x81: {  	_ =	shalt  }
0x82: {  	_ =	shalt  }
0x83: {  	_ =	shalt  }
0x84: {  	_ =	shalt  }
0x85: {  	_ =	shalt  }
0x86: {  	_ =	shalt  }
0x87: {  	_ =	shalt  }
.Lfunc_end0:
.L_simem_size_0:
called_computation_lowered:
.L_overlay_start_0:
0x88: {  	s2 =	sld [smem:$0x3FD9]  }
0x89: {  	s3 =	sld [smem:$0x3FFE];
	_ =	sdelay $0x1  }
0x8a: {  	s1 =	srdreg.scid  }
0x8b: {  	s0 =	sand.u32 $0x1, s1  }
0x8c: {  	s14 =	sshll.u32 s0, $0xA;
	s2 =	sadd.s32 s3, s2  }
0x8d: {  	s2 =	sadd.s32 s2, s14  }
0x8e: {  	[smem:$0x3FB5] =	sst s2  }
0x8f: {  	_ = 	snop  }
0x90: {  	s2 =	sld [smem:$0x3FD0];
	_ =	sdelay $0x2  }
0x91: {  	s15 =	simm.s32 $0xA;
	s4 =	simm.s32 $0x10  }
0x92: {  	[smem:s4], [sflag:s15] =	dma.local [hbm:s2], $0x1  }
0x93: {  	_ =	swait.eq [sflag:s15], $0x1  }
0x94: {  	[sflag:s15] =	ssyncset.done $0x0  }
0x95: {  	[sflag:s15] =	ssyncadd.s32 $0xFFFFFFFF  }
0x96: {  	s16 =	sld [smem:$0x13];
	(tm) =	ssettm $0x1  }
0x97: {  	s17 =	sld [smem:$0x3FFB];
	_ =	sdelay $0x3  }
0x98: {  	_ =	strace s17  }
0x99: {  	s3 =	sld [smem:$0x3FFC];
	_ =	sdelay $0x3  }
0x9a: {  	_ =	strace s3  }
0x9b: {  	s3 =	sld [smem:$0x3FFD];
	_ =	sdelay $0x3  }
0x9c: {  	_ =	strace s3  }
0x9d: {  	_ =	strace $0x8FFFFFFF  }
0x9e: {  	s18 =	sld [smem:$0x3FDB];
	_ =	sdelay $0x1  }
0x9f: {  	s19 =	simm.s32 $_scs_section_size  }
0xa0: {  	s5 =	simm.s32 $_size__tile_overlayer_lowered;
	s6 =	simm.s32 $_tile_overlayer_lowered  }
0xa1: {  	s22 =	simm.s32 $0x1BFF;
	s21 =	sshll.u32 s6, $0x1;
	s3 =	sadd.s32 s19, s18  }
0xa2: {  	s7 =	simm.s32 $0x0;
	s20 =	sshll.u32 s5, $0x1;
	s5 =	sadd.s32 s21, s3  }
0xa3: {  	[timem:s7], [sflag:s22] =	dma.local [hbm:s5], s20  }
0xa4: {  	_ =	swait.ge [sflag:s22], s20  }
0xa5: {  	s4 =	ssub.s32 $0x0, s20;
	[sflag:s22] =	ssyncset.done $0x0  }
0xa6: {  	[sflag:s22] =	ssyncadd.s32 s4;
	_ =	sdelay $0x1  }
0xa7: {  	s23 =	simm.s32 $0x1B8B  }
0xa8: {  	_ =	swait.ge [sflag:s23], $0x1  }
0xa9: {  	[sflag:s23] =	ssyncset.done $0x0  }
0xaa: {  	s25 =	simm.s32 $0x1B8E;
	s24 =	sld [smem:$0x3FFE];
	[sflag:s23] =	ssyncadd.s32 $0xFFFFFFFF  }
0xab: {  	s26 =	simm.s32 $execute0_lowered;
	[smem:$0x3FD2] =	sst s25  }
0xac: {  	s5 =	sshll.u32 s26, $0x1;
	_ =	strace $0x80000046;
	[dreg:$0x1] =	wrdreg $0xFFFFFFFF  }
0xad: {  	s28 =	simm.s32 $_size_execute0_lowered;
	s3 =	sadd.s32 s3, s5;
	[dreg:$0x0] =	wrdreg $0x0  }
0xae: {  	s5 =	sshll.u32 s28, $0x1;
	[dreg:$0x2] =	wrdreg s3  }
0xaf: {  	[dreg:$0x3] =	wrdreg s5  }
0xb0: {  	[dreg:$0x4] =	wrdreg $0xC0  }
0xb1: {  	_ =	task [dreg:s7], $0x5FFFF  }
0xb2: {  	[dreg:$0x1] =	wrdreg $0xFFFFFFFF  }
0xb3: {  	[dreg:$0x0] =	wrdreg $0x60  }
0xb4: {  	[dreg:$0x2] =	wrdreg s24  }
0xb5: {  	[dreg:$0x3] =	wrdreg s16  }
0xb6: {  	[dreg:$0x4] =	wrdreg $0x9  }
0xb7: {  	_ =	task.clear_ibuf [dreg:s7], $0x5FFFF;
	_ =	strace $0x90000046  }
0xb8: {  	s29 =	simm.s32 $0x9;
	_ =	strace $0x80000048  }
0xb9: {  	_ =	swait.ge [sflag:s29], $0x1  }
0xba: {  	[sflag:s29] =	ssyncadd.s32 $0xFFFFFFFF  }
0xbb: {  	_ =	strace $0x90000048  }
0xbc: {  	_ =	sfence  }
0xbd: {  	s30 =	sld [smem:$0x0];
	_ =	sdelay $0x2  }
0xbe: {  	s31 =	sshll.u32 s1, $0xD;
	s1 =	sshrl.u32 s1, $0x2  }
0xbf: {  	s3 =	sand.u32 $0x4000, s31;
	s1 =	sadd.s32 s1, s30  }
0xc0: {  	s0 =	sor.u32 s3, s0;
	s1 =	sshll.u32 s1, $0x11  }
0xc1: {  	s0 =	sor.u32 s1, s0  }
0xc2: {  	s0 =	sadd.s32 $0x8F2B, s0  }
0xc3: {  	[sflag:s0] =	ssyncadd.remote.s32 $0x1  }
0xc4: {  	_ =	sfence.sel $0xFFFF  }
0xc5: {  	[dreg:$0x0] =	wrdreg $0xFFFFFFFF;
	(pc) =	sbr.abs _section_cstart, $3  }
0xc6: {  	[dreg:$0x1] =	wrdreg $0xFFFFFFFF  }
0xc7: {  	_ =	task.clear_ibuf [dreg:s7], $0x2FFFF;
	_ =	strace $0x9FFFFFFF  }
0xc8: {  	(tm) =	ssettm $0x7FFFFFFF  }
0xc9: {  	_ =	shalt  }
tec
execute0_lowered:
.L_overlay_start_1:
0x0: {  	(tag) =	ssettag $0x1  }
0x1: {  	s4 =	rddreg [dreg:$0x0]  }
0x2: {  	s5 =	rddreg [dreg:$0x1]  }
0x3: {  	s0 =	rddreg [dreg:$0x2];
	s3 =	srdreg.scid  }
0x4: {  	s2 =	simm.s32 $0x0;
	s1 =	stileid.u32;
	s10 =	simm.s32 $0x1080  }
0x5: {  	s11 =	simm.s32 $0x1880;
	s12 =	simm.s32 $0x2080;
	s13 =	simm.s32 $0x2880  }
0x6: {  	s14 =	simm.s32 $0x3080;
	s15 =	simm.s32 $0x3880;
	s16 =	simm.s32 $0x4080  }
0x7: {  	s17 =	simm.s32 $0x4880;
	s18 =	simm.s32 $0x5080;
	s19 =	simm.s32 $0x5880  }
0x8: {  	s20 =	simm.s32 $0x6080;
	s21 =	simm.s32 $0x6880;
	s22 =	simm.s32 $0x7080  }
0x9: {  	s23 =	simm.s32 $0x7880;
	s24 =	simm.s32 $0x1;
	s3 =	sand.u32 $0x1, s3  }
0xa: {  	[smem:$0x7FF] =	sst s2;
	s6 =	sshll.u32 s1, $0x8;
	s7 =	sshll.u32 s3, $0x7  }
0xb: {  	_ =	strace $0x80000047;
	s30 =	ssub.s32 $0x2, s3;
	s6 =	sor.u32 s7, s6  }
0xc: {  	s3 =	sadd.s32 $0x44C00, s4;
	s9 =	sshrl.u32 s30, $0x1;
	s8 =	sshll.u32 s6, $0x5  }
0xd: {  	v2 =	vlaneseq.u32;
	s7 =	ssub.s32 s30, s9;
	s31 =	sshrl.u32 s6, $0x3;
	s9 =	simm.s32 $0x880  }
0xe: {  	vm0 =	vmmov $0xffff;
	v1 =	vshrl.u32 v2, $0x3;
	s8 =	sadd.s32 s8, s4;
	s4 =	sadd.s32 s5, s31;
	s6 =	smax.u32 s7, $0x1  }
0xf: {  	v0 =	vand.u32 $0x7, v2;
	v2 =	vor.u32 $0x8, v2;
	v1 =	vmul.u32 $0x8, v1;
	s7 =	simm.s32 $0x2;
	s5 =	sadd.s32 $0xC4C00, s8;
	s8 =	simm.s32 $0x80  }
.LBB2_1:
0x10: {  	[tilespmem:s2], [sflag:$0x2] =	stream.linear.gather [hbm4b:s4+s2], $0x80, $0x38;
	[tilespmem:$0x8080] =	vst v63  }
0x11: {  	_ =	swait.ge [sflag:s7], $0x80  }
0x12: {  	[sflag:s7] =	ssyncset.done $0x0  }
0x13: {  	[sflag:s7] =	ssyncadd.s32 $0xFFFFFF80  }
0x14: {  	v3 =	vld [tilespmem:$0x0];
	_ =	sdelay $0x4  }
0x15: {  	v4 =	vshll.u32 v3, $0x1  }
0x16: {  	v3 =	vand.u32 $0x7, v3;
	v4 =	vand.u32 $0xFFFFFFF0, v4  }
0x17: {  	v3 =	vor.u32 v3, v4  }
0x18: {  	v4 =	vperm.xlane v3, v0;
	_ =	sdelay $0x1  }
0x19: {  	v3 =	vperm.xlane v3, v2;
	v4 =	vadd.s32 v1, v4;
	_ =	sdelay $0x1  }
0x1a: {  	v3 =	vadd.s32 v1, v3;
	_ =	sdelay $0x2  }
0x1b: {  	[tilespmem:s8], [sflag:$0x1] =	stream.indirect_vreg.gather [hbm4b:s3+s2], $0x80, v4, vm0, $0xb8;
	[tilespmem:$0x8080] =	vst v63  }
0x1c: {  	_ = 	snop  }
0x1d: {  	[tilespmem:s9], [sflag:$0x1] =	stream.indirect_vreg.gather [hbm4b:s3+s2], $0x80, v3, vm0, $0xb8;
	[tilespmem:$0x8080] =	vst v63  }
0x1e: {  	v3 =	vld [tilespmem:$0x10];
	_ =	sdelay $0x4  }
0x1f: {  	v57 =	vshll.u32 v3, $0x1  }
0x20: {  	v3 =	vand.u32 $0x7, v3;
	v4 =	vand.u32 $0xFFFFFFF0, v57  }
0x21: {  	v3 =	vor.u32 v3, v4  }
0x22: {  	v4 =	vperm.xlane v3, v0;
	_ =	sdelay $0x1  }
0x23: {  	v3 =	vperm.xlane v3, v2;
	v4 =	vadd.s32 v1, v4;
	_ =	sdelay $0x1  }
0x24: {  	v3 =	vadd.s32 v1, v3;
	_ =	sdelay $0x2  }
0x25: {  	[tilespmem:s10], [sflag:$0x1] =	stream.indirect_vreg.gather [hbm4b:s3+s2], $0x80, v4, vm0, $0xb8;
	[tilespmem:$0x8080] =	vst v63  }
0x26: {  	_ = 	snop  }
0x27: {  	[tilespmem:s11], [sflag:$0x1] =	stream.indirect_vreg.gather [hbm4b:s3+s2], $0x80, v3, vm0, $0xb8;
	[tilespmem:$0x8080] =	vst v63  }
0x28: {  	v3 =	vld [tilespmem:$0x20];
	_ =	sdelay $0x4  }
0x29: {  	v58 =	vshll.u32 v3, $0x1  }
0x2a: {  	v3 =	vand.u32 $0x7, v3;
	v4 =	vand.u32 $0xFFFFFFF0, v58  }
0x2b: {  	v3 =	vor.u32 v3, v4  }
0x2c: {  	v4 =	vperm.xlane v3, v0;
	_ =	sdelay $0x1  }
0x2d: {  	v3 =	vperm.xlane v3, v2;
	v4 =	vadd.s32 v1, v4;
	_ =	sdelay $0x1  }
0x2e: {  	v3 =	vadd.s32 v1, v3;
	_ =	sdelay $0x2  }
0x2f: {  	[tilespmem:s12], [sflag:$0x1] =	stream.indirect_vreg.gather [hbm4b:s3+s2], $0x80, v4, vm0, $0xb8;
	[tilespmem:$0x8080] =	vst v63  }
0x30: {  	_ = 	snop  }
0x31: {  	[tilespmem:s13], [sflag:$0x1] =	stream.indirect_vreg.gather [hbm4b:s3+s2], $0x80, v3, vm0, $0xb8;
	[tilespmem:$0x8080] =	vst v63  }
0x32: {  	v3 =	vld [tilespmem:$0x30];
	_ =	sdelay $0x4  }
0x33: {  	v59 =	vshll.u32 v3, $0x1  }
0x34: {  	v3 =	vand.u32 $0x7, v3;
	v4 =	vand.u32 $0xFFFFFFF0, v59  }
0x35: {  	v3 =	vor.u32 v3, v4  }
0x36: {  	v4 =	vperm.xlane v3, v0;
	_ =	sdelay $0x1  }
0x37: {  	v3 =	vperm.xlane v3, v2;
	v4 =	vadd.s32 v1, v4;
	_ =	sdelay $0x1  }
0x38: {  	v3 =	vadd.s32 v1, v3;
	_ =	sdelay $0x2  }
0x39: {  	[tilespmem:s14], [sflag:$0x1] =	stream.indirect_vreg.gather [hbm4b:s3+s2], $0x80, v4, vm0, $0xb8;
	[tilespmem:$0x8080] =	vst v63  }
0x3a: {  	_ = 	snop  }
0x3b: {  	[tilespmem:s15], [sflag:$0x1] =	stream.indirect_vreg.gather [hbm4b:s3+s2], $0x80, v3, vm0, $0xb8;
	[tilespmem:$0x8080] =	vst v63  }
0x3c: {  	v3 =	vld [tilespmem:$0x40];
	_ =	sdelay $0x4  }
0x3d: {  	v60 =	vshll.u32 v3, $0x1  }
0x3e: {  	v3 =	vand.u32 $0x7, v3;
	v4 =	vand.u32 $0xFFFFFFF0, v60  }
0x3f: {  	v3 =	vor.u32 v3, v4  }
0x40: {  	v4 =	vperm.xlane v3, v0;
	_ =	sdelay $0x1  }
0x41: {  	v3 =	vperm.xlane v3, v2;
	v4 =	vadd.s32 v1, v4;
	_ =	sdelay $0x1  }
0x42: {  	v3 =	vadd.s32 v1, v3;
	_ =	sdelay $0x2  }
0x43: {  	[tilespmem:s16], [sflag:$0x1] =	stream.indirect_vreg.gather [hbm4b:s3+s2], $0x80, v4, vm0, $0xb8;
	[tilespmem:$0x8080] =	vst v63  }
0x44: {  	_ = 	snop  }
0x45: {  	[tilespmem:s17], [sflag:$0x1] =	stream.indirect_vreg.gather [hbm4b:s3+s2], $0x80, v3, vm0, $0xb8;
	[tilespmem:$0x8080] =	vst v63  }
0x46: {  	v3 =	vld [tilespmem:$0x50];
	_ =	sdelay $0x4  }
0x47: {  	v61 =	vshll.u32 v3, $0x1  }
0x48: {  	v3 =	vand.u32 $0x7, v3;
	v4 =	vand.u32 $0xFFFFFFF0, v61  }
0x49: {  	v3 =	vor.u32 v3, v4  }
0x4a: {  	v4 =	vperm.xlane v3, v0;
	_ =	sdelay $0x1  }
0x4b: {  	v3 =	vperm.xlane v3, v2;
	v4 =	vadd.s32 v1, v4;
	_ =	sdelay $0x1  }
0x4c: {  	v3 =	vadd.s32 v1, v3;
	_ =	sdelay $0x2  }
0x4d: {  	[tilespmem:s18], [sflag:$0x1] =	stream.indirect_vreg.gather [hbm4b:s3+s2], $0x80, v4, vm0, $0xb8;
	[tilespmem:$0x8080] =	vst v63  }
0x4e: {  	_ = 	snop  }
0x4f: {  	[tilespmem:s19], [sflag:$0x1] =	stream.indirect_vreg.gather [hbm4b:s3+s2], $0x80, v3, vm0, $0xb8;
	[tilespmem:$0x8080] =	vst v63  }
0x50: {  	v3 =	vld [tilespmem:$0x60];
	_ =	sdelay $0x4  }
0x51: {  	v62 =	vshll.u32 v3, $0x1  }
0x52: {  	v3 =	vand.u32 $0x7, v3;
	v4 =	vand.u32 $0xFFFFFFF0, v62  }
0x53: {  	v3 =	vor.u32 v3, v4  }
0x54: {  	v4 =	vperm.xlane v3, v0;
	_ =	sdelay $0x1  }
0x55: {  	v3 =	vperm.xlane v3, v2;
	v4 =	vadd.s32 v1, v4;
	_ =	sdelay $0x1  }
0x56: {  	v3 =	vadd.s32 v1, v3;
	_ =	sdelay $0x2  }
0x57: {  	[tilespmem:s20], [sflag:$0x1] =	stream.indirect_vreg.gather [hbm4b:s3+s2], $0x80, v4, vm0, $0xb8;
	[tilespmem:$0x8080] =	vst v63  }
0x58: {  	_ = 	snop  }
0x59: {  	[tilespmem:s21], [sflag:$0x1] =	stream.indirect_vreg.gather [hbm4b:s3+s2], $0x80, v3, vm0, $0xb8;
	[tilespmem:$0x8080] =	vst v63  }
0x5a: {  	v3 =	vld [tilespmem:$0x70];
	_ =	sdelay $0x4  }
0x5b: {  	v63 =	vshll.u32 v3, $0x1  }
0x5c: {  	v3 =	vand.u32 $0x7, v3;
	v4 =	vand.u32 $0xFFFFFFF0, v63  }
0x5d: {  	v3 =	vor.u32 v3, v4  }
0x5e: {  	v4 =	vperm.xlane v3, v0;
	_ =	sdelay $0x1  }
0x5f: {  	v3 =	vperm.xlane v3, v2;
	v4 =	vadd.s32 v1, v4;
	_ =	sdelay $0x1  }
0x60: {  	v3 =	vadd.s32 v1, v3;
	_ =	sdelay $0x2  }
0x61: {  	[tilespmem:s22], [sflag:$0x1] =	stream.indirect_vreg.gather [hbm4b:s3+s2], $0x80, v4, vm0, $0xb8;
	[tilespmem:$0x8080] =	vst v63  }
0x62: {  	_ = 	snop  }
0x63: {  	[tilespmem:s23], [sflag:$0x1] =	stream.indirect_vreg.gather [hbm4b:s3+s2], $0x80, v3, vm0, $0xb8;
	[tilespmem:$0x8080] =	vst v63  }
0x64: {  	_ =	swait.ge [sflag:s24], $0x8000  }
0x65: {  	p0 =	sne.s32 s6, $0x1;
	[sflag:s24] =	ssyncset.done $0x0  }
.Ltmp0:
0x66: {  	[sflag:s24] =	ssyncadd.s32 $0xFFFF8000;
	(pc) =	sbr.rel @p0 .LBB2_1-.Ltmp0, $4  }
0x67: {  	[hbm4b:s5+s2] =	stream.linear.scatter [tilespmem:s8], [sflag:$0x2], $0x8000, $0x38;
	[tilespmem:$0x8080] =	vst v63  }
0x68: {  	_ =	swait.ge [sflag:s7], $0x8000  }
0x69: {  	[sflag:s7] =	ssyncset.done $0x0  }
0x6a: {  	s6 =	sadd.s32 $0xFFFFFFFF, s6;
	[sflag:s7] =	ssyncadd.s32 $0xFFFF8000  }
0x6b: {  	_ =	sfence.sel $0x180000  }
0x6c: {  	[bflag:$0x0] =	sbarrier.arrive $0xFFFF  }
0x6d: {  	p0 =	sne.s32 s1, $0x0;
	_ =	strace $0x90000047  }
0x6e: {  	s0 =	sadd.s32 @!p0 $0x100000, s0;
	[bflag:$0x2] =	sbarrier.arrive $0xFFFF  }
0x6f: {  	[sflag:s0] =	ssyncadd.tile.s32 @!p0 $0x1;
	_ =	shalt  }
.Lfunc_end2:
_tile_overlayer_lowered:
.L_overlay_start_2:
0x70: {  	(tag) =	ssettag $0x2  }
0x71: {  	s0 =	rddreg [dreg:$0x0];
	s2 =	stileid.u32  }
0x72: {  	s1 =	rddreg [dreg:$0x1];
	p0 =	sne.s32 s2, $0x0  }
0x73: {  	s3 =	rddreg [dreg:$0x2];
	[bflag:$0x3] =	sbarrier.arrive $0xFFFF;
	s2 =	simm.s32 @!p0 $0x1C02  }
0x74: {  	[timem:s3], [sflag:s2] =	dma.local @!p0 [hbm:s0], s1  }
0x75: {  	s0 =	simm.s32 @!p0 $0x2  }
0x76: {  	_ =	swait.ge @!p0 [sflag:s0], s1  }
0x77: {  	s1 =	ssub.s32 @!p0 $0x0, s1;
	[sflag:s0] =	ssyncset.done @!p0 $0x0  }
0x78: {  	[sflag:s0] =	ssyncadd.s32 @!p0 s1  }
0x79: {  	[bflag:$0x3] =	sbarrier.arrive $0xFFFF  }
0x7a: {  	_ =	shalt  }

// kernel: kernel.18.cloned.1.call-start
scs
__scs_entry_jumppad:
0x0: {  	(pc) =	sbr.rel $0x88, $3  }
0x1: {  	(tag) =	ssettag $0x0;
	lr =	simm.s32 $0x1  }
0x2: {  	[smem:$0x3F8E] =	sst lr;
	_ =	strace $0xD0000000  }
0x3: {  	_ = 	snop  }
0x4: {  	_ = 	snop  }
0x5: {  	_ = 	snop  }
0x6: {  	_ = 	snop  }
0x7: {  	_ = 	snop  }
__scs_overlays_trampoline_lowered:
0x8: {  	[smem:$0x3F9D] =	sst s0  }
0x9: {  	[smem:$0x3F9E] =	sst s1  }
0xa: {  	[smem:$0x3F9F] =	sst s2  }
0xb: {  	[smem:$0x3FA0] =	sst s3  }
0xc: {  	[smem:$0x3FA1] =	sst s4  }
0xd: {  	[smem:$0x3FA2] =	sst s5  }
0xe: {  	[smem:$0x3FA3] =	sst s6  }
0xf: {  	[smem:$0x3FA4] =	sst s7  }
0x10: {  	[smem:$0x3FA5] =	sst s8  }
0x11: {  	[smem:$0x3FA6] =	sst s9;
	s0 =	simm.s32 @!p0 $0x0  }
0x12: {  	s1 =	sld [smem:$0x3F8C];
	s0 =	simm.s32 @p0 $0x1  }
0x13: {  	[smem:$0x3FA7] =	sst s0;
	s0 =	simm.s32 @!p1 $0x0  }
0x14: {  	s2 =	sld [smem:$0x3F8B];
	s0 =	simm.s32 @p1 $0x1  }
0x15: {  	[smem:$0x3FA8] =	sst s0;
	s0 =	simm.s32 @!p2 $0x0  }
0x16: {  	s3 =	sld [smem:$0x3FDB];
	s0 =	simm.s32 @p2 $0x1  }
0x17: {  	s4 =	simm.s32 $0x1BF5;
	[smem:$0x3FAA] =	sst s0  }
0x18: {  	s0 =	sld [smem:$0x3F8D];
	_ =	swait.ge [sflag:s4], $0x0  }
0x19: {  	s7 =	sld [smem:$0x3F8E]  }
0x1a: {  	s8 =	sadd.s32 $0xFFFFE003, lr  }
0x1b: {  	s9 =	sadd.s32 $0xFFFFFEF7, lr;
	s5 =	simm.s32 $0xFFFFFFFF;
	p2 =	slt.u32 s8, $0xFFFFF086  }
0x1c: {  	p1 =	slt.u32 s9, $0xF7A;
	s5 =	simm.s32 @!p2 $0x0  }
0x1d: {  	s5 =	simm.s32 @p1 $0x1;
	p0 =	seq.s32 s7, s2  }
0x1e: {  	s7 =	smul.u32 @!p0 $0xF7A, s2;
	p2 =	seq.s32 @!p0 s5, $0x0  }
0x1f: {  	s9 =	smul.u32 $0xF7A, s1;
	s8 =	simm.s32 @!p0 $0x1BF5;
	p2 =	por !p2, p0  }
0x20: {  	[sflag:s8] =	ssyncset.s32 @!p0 $0xFFFFF086;
	s6 =	sadd.s32 @!p0 s3, s7;
	s7 =	simm.s32 @!p0 $0x108  }
0x21: {  	s3 =	sadd.s32 s3, s9;
	s6 =	sadd.s32 @!p0 $0x88, s6;
	s7 =	simm.s32 @p2 $0x1082  }
0x22: {  	[simem:s7], [sflag:s8] =	dma.local @!p0 [hbm:s6], $0xF7A  }
0x23: {  	s9 =	sor.u32 $0xD0000000, s2;
	s6 =	simm.s32 $0x108;
	_ =	swait.ge @!p0 [sflag:s8], $0x0  }
0x24: {  	s3 =	sadd.s32 $0x88, s3;
	s6 =	simm.s32 @!p1 $0x1082;
	[sflag:s4] =	ssyncset.s32 $0xFFFFF086  }
0x25: {  	[simem:s6], [sflag:s4] =	dma.local [hbm:s3], $0xF7A  }
0x26: {  	[smem:$0x3F8E] =	sst s1;
	(tag) =	ssettag s2;
	_ =	strace s9  }
0x27: {  	s1 =	sld [smem:$0x3F9E]  }
0x28: {  	s2 =	sld [smem:$0x3F9F]  }
0x29: {  	s4 =	sld [smem:$0x3FA1]  }
0x2a: {  	p0 =	seq.s32 s5, $0x0;
	s5 =	sld [smem:$0x3FA2]  }
0x2b: {  	s6 =	sld [smem:$0x3FA3]  }
0x2c: {  	s7 =	sld [smem:$0x3FA4]  }
0x2d: {  	s3 =	simm.s32 $0x108;
	s8 =	sld [smem:$0x3FA5]  }
0x2e: {  	s3 =	simm.s32 @!p0 $0x1082;
	s9 =	sld [smem:$0x3FA6]  }
0x2f: {  	lr =	sadd.s32 s0, s3;
	s0 =	sld [smem:$0x3F9D]  }
0x30: {  	s3 =	sld [smem:$0x3FA0]  }
0x31: {  	[smem:$0x3FA9] =	sst s10  }
0x32: {  	s10 =	sld [smem:$0x3FA7];
	_ =	sdelay $0x3  }
0x33: {  	p0 =	seq.s32 s10, $0x1;
	s10 =	sld [smem:$0x3FA9];
	_ =	sdelay $0x3  }
0x34: {  	[smem:$0x3FA9] =	sst s10  }
0x35: {  	s10 =	sld [smem:$0x3FA8];
	_ =	sdelay $0x3  }
0x36: {  	p1 =	seq.s32 s10, $0x1;
	s10 =	sld [smem:$0x3FA9];
	_ =	sdelay $0x3  }
0x37: {  	[smem:$0x3FA9] =	sst s10  }
0x38: {  	s10 =	sld [smem:$0x3FAA]  }
0x39: {  	_ = 	snop;
	(pc) =	sbr.ind lr, $3  }
0x3a: {  	_ = 	snop  }
0x3b: {  	_ = 	snop  }
0x3c: {  	p2 =	seq.s32 s10, $0x1;
	s10 =	sld [smem:$0x3FA9]  }
0x3d: {  	_ =	shalt  }
0x3e: {  	_ =	shalt  }
0x3f: {  	_ =	shalt  }
0x40: {  	_ =	shalt  }
0x41: {  	_ =	shalt  }
0x42: {  	_ =	shalt  }
0x43: {  	_ =	shalt  }
0x44: {  	_ =	shalt  }
0x45: {  	_ =	shalt  }
0x46: {  	_ =	shalt  }
0x47: {  	_ =	shalt  }
0x48: {  	_ =	shalt  }
0x49: {  	_ =	shalt  }
0x4a: {  	_ =	shalt  }
0x4b: {  	_ =	shalt  }
0x4c: {  	_ =	shalt  }
0x4d: {  	_ =	shalt  }
0x4e: {  	_ =	shalt  }
0x4f: {  	_ =	shalt  }
0x50: {  	_ =	shalt  }
0x51: {  	_ =	shalt  }
0x52: {  	_ =	shalt  }
0x53: {  	_ =	shalt  }
0x54: {  	_ =	shalt  }
0x55: {  	_ =	shalt  }
0x56: {  	_ =	shalt  }
0x57: {  	_ =	shalt  }
0x58: {  	_ =	shalt  }
0x59: {  	_ =	shalt  }
0x5a: {  	_ =	shalt  }
0x5b: {  	_ =	shalt  }
0x5c: {  	_ =	shalt  }
0x5d: {  	_ =	shalt  }
0x5e: {  	_ =	shalt  }
0x5f: {  	_ =	shalt  }
0x60: {  	_ =	shalt  }
0x61: {  	_ =	shalt  }
0x62: {  	_ =	shalt  }
0x63: {  	_ =	shalt  }
0x64: {  	_ =	shalt  }
0x65: {  	_ =	shalt  }
0x66: {  	_ =	shalt  }
0x67: {  	_ =	shalt  }
0x68: {  	_ =	shalt  }
0x69: {  	_ =	shalt  }
0x6a: {  	_ =	shalt  }
0x6b: {  	_ =	shalt  }
0x6c: {  	_ =	shalt  }
0x6d: {  	_ =	shalt  }
0x6e: {  	_ =	shalt  }
0x6f: {  	_ =	shalt  }
0x70: {  	_ =	shalt  }
0x71: {  	_ =	shalt  }
0x72: {  	_ =	shalt  }
0x73: {  	_ =	shalt  }
0x74: {  	_ =	shalt  }
0x75: {  	_ =	shalt  }
0x76: {  	_ =	shalt  }
0x77: {  	_ =	shalt  }
0x78: {  	_ =	shalt  }
0x79: {  	_ =	shalt  }
0x7a: {  	_ =	shalt  }
0x7b: {  	_ =	shalt  }
0x7c: {  	_ =	shalt  }
0x7d: {  	_ =	shalt  }
0x7e: {  	_ =	shalt  }
0x7f: {  	_ =	shalt  }
0x80: {  	_ =	shalt  }
0x81: {  	_ =	shalt  }
0x82: {  	_ =	shalt  }
0x83: {  	_ =	shalt  }
0x84: {  	_ =	shalt  }
0x85: {  	_ =	shalt  }
0x86: {  	_ =	shalt  }
0x87: {  	_ =	shalt  }
.Lfunc_end0:
.L_simem_size_0:
called_computation.1_lowered:
.L_overlay_start_0:
0x88: {  	s2 =	sld [smem:$0x3FD9]  }
0x89: {  	s3 =	sld [smem:$0x3FFE];
	_ =	sdelay $0x1  }
0x8a: {  	s1 =	srdreg.scid  }
0x8b: {  	s0 =	sand.u32 $0x1, s1  }
0x8c: {  	s16 =	sshll.u32 s0, $0xA;
	s2 =	sadd.s32 s3, s2  }
0x8d: {  	s2 =	sadd.s32 s2, s16  }
0x8e: {  	[smem:$0x3FB5] =	sst s2  }
0x8f: {  	_ = 	snop  }
0x90: {  	(tm) =	ssettm $0x1  }
0x91: {  	s17 =	sld [smem:$0x3FFB];
	_ =	sdelay $0x3  }
0x92: {  	_ =	strace s17  }
0x93: {  	s2 =	sld [smem:$0x3FFC];
	_ =	sdelay $0x3  }
0x94: {  	_ =	strace s2  }
0x95: {  	s2 =	sld [smem:$0x3FFD];
	_ =	sdelay $0x3  }
0x96: {  	_ =	strace s2  }
0x97: {  	_ =	strace $0x8FFFFFFF  }
0x98: {  	s18 =	sld [smem:$0x3FDB];
	_ =	sdelay $0x1  }
0x99: {  	s19 =	simm.s32 $_scs_section_size  }
0x9a: {  	s4 =	simm.s32 $_size__tile_overlayer_lowered;
	s5 =	simm.s32 $_tile_overlayer_lowered  }
0x9b: {  	s22 =	simm.s32 $0x1BFF;
	s21 =	sshll.u32 s5, $0x1;
	s2 =	sadd.s32 s19, s18  }
0x9c: {  	s6 =	simm.s32 $0x0;
	s20 =	sshll.u32 s4, $0x1;
	s4 =	sadd.s32 s21, s2  }
0x9d: {  	[timem:s6], [sflag:s22] =	dma.local [hbm:s4], s20  }
0x9e: {  	_ =	swait.ge [sflag:s22], s20  }
0x9f: {  	s3 =	ssub.s32 $0x0, s20;
	[sflag:s22] =	ssyncset.done $0x0  }
0xa0: {  	[sflag:s22] =	ssyncadd.s32 s3;
	_ =	sdelay $0x1  }
0xa1: {  	s23 =	simm.s32 $0x1B8B  }
0xa2: {  	_ =	swait.ge [sflag:s23], $0x1  }
0xa3: {  	[sflag:s23] =	ssyncset.done $0x0  }
0xa4: {  	s25 =	simm.s32 $0x1B8E;
	s24 =	sld [smem:$0x3FFE];
	[sflag:s23] =	ssyncadd.s32 $0xFFFFFFFF  }
0xa5: {  	s26 =	simm.s32 $execute0_lowered;
	[smem:$0x3FD2] =	sst s25  }
0xa6: {  	s4 =	sshll.u32 s26, $0x1;
	_ =	strace $0x80000049;
	[dreg:$0x1] =	wrdreg $0xFFFFFFFF  }
0xa7: {  	s28 =	simm.s32 $_size_execute0_lowered;
	s2 =	sadd.s32 s2, s4;
	[dreg:$0x0] =	wrdreg $0x0  }
0xa8: {  	s4 =	sshll.u32 s28, $0x1;
	[dreg:$0x2] =	wrdreg s2  }
0xa9: {  	[dreg:$0x3] =	wrdreg s4  }
0xaa: {  	[dreg:$0x4] =	wrdreg $0xC0  }
0xab: {  	_ =	task [dreg:s6], $0x5FFFF  }
0xac: {  	[dreg:$0x1] =	wrdreg $0xFFFFFFFF  }
0xad: {  	[dreg:$0x0] =	wrdreg $0x60  }
0xae: {  	[dreg:$0x2] =	wrdreg s24  }
0xaf: {  	[dreg:$0x3] =	wrdreg $0x9  }
0xb0: {  	_ =	task.clear_ibuf [dreg:s6], $0x4FFFF;
	_ =	strace $0x90000049  }
0xb1: {  	s29 =	simm.s32 $0x9;
	_ =	strace $0x8000004B  }
0xb2: {  	_ =	swait.ge [sflag:s29], $0x1  }
0xb3: {  	[sflag:s29] =	ssyncadd.s32 $0xFFFFFFFF  }
0xb4: {  	_ =	strace $0x9000004B  }
0xb5: {  	_ =	sfence  }
0xb6: {  	s30 =	sld [smem:$0x0];
	_ =	sdelay $0x2  }
0xb7: {  	s31 =	sshll.u32 s1, $0xD;
	s1 =	sshrl.u32 s1, $0x2  }
0xb8: {  	s3 =	sand.u32 $0x4000, s31;
	s1 =	sadd.s32 s1, s30  }
0xb9: {  	s0 =	sor.u32 s3, s0;
	s1 =	sshll.u32 s1, $0x11  }
0xba: {  	s0 =	sor.u32 s1, s0  }
0xbb: {  	s0 =	sadd.s32 $0x8F2B, s0  }
0xbc: {  	[sflag:s0] =	ssyncadd.remote.s32 $0x1  }
0xbd: {  	_ =	sfence.sel $0xFFFF  }
0xbe: {  	[dreg:$0x0] =	wrdreg $0xFFFFFFFF;
	(pc) =	sbr.abs _section_cstart, $3  }
0xbf: {  	[dreg:$0x1] =	wrdreg $0xFFFFFFFF  }
0xc0: {  	_ =	task.clear_ibuf [dreg:s6], $0x2FFFF;
	_ =	strace $0x9FFFFFFF  }
0xc1: {  	(tm) =	ssettm $0x7FFFFFFF  }
tec
execute0_lowered:
.L_overlay_start_1:
0x0: {  	(tag) =	ssettag $0x1  }
0x1: {  	s4 =	rddreg [dreg:$0x0]  }
0x2: {  	s0 =	rddreg [dreg:$0x1];
	s2 =	simm.s32 $0x0;
	s3 =	srdreg.scid  }
0x3: {  	s1 =	stileid.u32;
	s9 =	simm.s32 $0x880;
	s10 =	simm.s32 $0x1080  }
0x4: {  	s11 =	simm.s32 $0x1880;
	s12 =	simm.s32 $0x2080;
	s13 =	simm.s32 $0x2880  }
0x5: {  	s14 =	simm.s32 $0x3080;
	s15 =	simm.s32 $0x3880;
	s16 =	simm.s32 $0x4080  }
0x6: {  	s17 =	simm.s32 $0x4880;
	s18 =	simm.s32 $0x5080;
	s19 =	simm.s32 $0x5880  }
0x7: {  	s20 =	simm.s32 $0x6080;
	s21 =	simm.s32 $0x6880;
	s22 =	simm.s32 $0x7080  }
0x8: {  	s23 =	simm.s32 $0x7880;
	s24 =	simm.s32 $0x1;
	s5 =	sand.u32 $0x1, s3  }
0x9: {  	[smem:$0x7FF] =	sst s2;
	s6 =	sshll.u32 s1, $0x8;
	s7 =	sshll.u32 s5, $0x7  }
0xa: {  	s3 =	sadd.s32 $0x84C00, s4;
	_ =	strace $0x8000004A;
	s6 =	sor.u32 s7, s6  }
0xb: {  	s5 =	ssub.s32 $0x2, s5;
	s7 =	sshrl.u32 s6, $0x3;
	s6 =	sshll.u32 s6, $0x5  }
0xc: {  	v2 =	vlaneseq.u32;
	s8 =	sshrl.u32 s5, $0x1;
	s7 =	sadd.s32 s7, s4;
	s6 =	sadd.s32 s6, s4  }
0xd: {  	vm0 =	vmmov $0xffff;
	v1 =	vshrl.u32 v2, $0x3;
	s8 =	ssub.s32 s5, s8;
	s4 =	sadd.s32 $0x44C00, s7;
	s5 =	sadd.s32 $0x44E00, s6  }
0xe: {  	v0 =	vand.u32 $0x7, v2;
	v2 =	vor.u32 $0x8, v2;
	v1 =	vmul.u32 $0x8, v1;
	s6 =	smax.u32 s8, $0x1;
	s7 =	simm.s32 $0x2;
	s8 =	simm.s32 $0x80  }
.LBB2_1:
0xf: {  	[tilespmem:s2], [sflag:$0x2] =	stream.linear.gather [hbm4b:s4+s2], $0x80, $0x38;
	[tilespmem:$0x8080] =	vst v63  }
0x10: {  	_ =	swait.ge [sflag:s7], $0x80  }
0x11: {  	[sflag:s7] =	ssyncset.done $0x0  }
0x12: {  	[sflag:s7] =	ssyncadd.s32 $0xFFFFFF80  }
0x13: {  	v3 =	vld [tilespmem:$0x0];
	_ =	sdelay $0x4  }
0x14: {  	v4 =	vshll.u32 v3, $0x1  }
0x15: {  	v3 =	vand.u32 $0x7, v3;
	v4 =	vand.u32 $0xFFFFFFF0, v4  }
0x16: {  	v3 =	vor.u32 v3, v4  }
0x17: {  	v4 =	vperm.xlane v3, v0;
	_ =	sdelay $0x1  }
0x18: {  	v3 =	vperm.xlane v3, v2;
	v4 =	vadd.s32 v1, v4;
	_ =	sdelay $0x1  }
0x19: {  	v3 =	vadd.s32 v1, v3;
	_ =	sdelay $0x2  }
0x1a: {  	[tilespmem:s8], [sflag:$0x1] =	stream.indirect_vreg.gather [hbm4b:s3+s2], $0x80, v4, vm0, $0xb8;
	[tilespmem:$0x8080] =	vst v63  }
0x1b: {  	_ = 	snop  }
0x1c: {  	[tilespmem:s9], [sflag:$0x1] =	stream.indirect_vreg.gather [hbm4b:s3+s2], $0x80, v3, vm0, $0xb8;
	[tilespmem:$0x8080] =	vst v63  }
0x1d: {  	v3 =	vld [tilespmem:$0x10];
	_ =	sdelay $0x4  }
0x1e: {  	v57 =	vshll.u32 v3, $0x1  }
0x1f: {  	v3 =	vand.u32 $0x7, v3;
	v4 =	vand.u32 $0xFFFFFFF0, v57  }
0x20: {  	v3 =	vor.u32 v3, v4  }
0x21: {  	v4 =	vperm.xlane v3, v0;
	_ =	sdelay $0x1  }
0x22: {  	v3 =	vperm.xlane v3, v2;
	v4 =	vadd.s32 v1, v4;
	_ =	sdelay $0x1  }
0x23: {  	v3 =	vadd.s32 v1, v3;
	_ =	sdelay $0x2  }
0x24: {  	[tilespmem:s10], [sflag:$0x1] =	stream.indirect_vreg.gather [hbm4b:s3+s2], $0x80, v4, vm0, $0xb8;
	[tilespmem:$0x8080] =	vst v63  }
0x25: {  	_ = 	snop  }
0x26: {  	[tilespmem:s11], [sflag:$0x1] =	stream.indirect_vreg.gather [hbm4b:s3+s2], $0x80, v3, vm0, $0xb8;
	[tilespmem:$0x8080] =	vst v63  }
0x27: {  	v3 =	vld [tilespmem:$0x20];
	_ =	sdelay $0x4  }
0x28: {  	v58 =	vshll.u32 v3, $0x1  }
0x29: {  	v3 =	vand.u32 $0x7, v3;
	v4 =	vand.u32 $0xFFFFFFF0, v58  }
0x2a: {  	v3 =	vor.u32 v3, v4  }
0x2b: {  	v4 =	vperm.xlane v3, v0;
	_ =	sdelay $0x1  }
0x2c: {  	v3 =	vperm.xlane v3, v2;
	v4 =	vadd.s32 v1, v4;
	_ =	sdelay $0x1  }
0x2d: {  	v3 =	vadd.s32 v1, v3;
	_ =	sdelay $0x2  }
0x2e: {  	[tilespmem:s12], [sflag:$0x1] =	stream.indirect_vreg.gather [hbm4b:s3+s2], $0x80, v4, vm0, $0xb8;
	[tilespmem:$0x8080] =	vst v63  }
0x2f: {  	_ = 	snop  }
0x30: {  	[tilespmem:s13], [sflag:$0x1] =	stream.indirect_vreg.gather [hbm4b:s3+s2], $0x80, v3, vm0, $0xb8;
	[tilespmem:$0x8080] =	vst v63  }
0x31: {  	v3 =	vld [tilespmem:$0x30];
	_ =	sdelay $0x4  }
0x32: {  	v59 =	vshll.u32 v3, $0x1  }
0x33: {  	v3 =	vand.u32 $0x7, v3;
	v4 =	vand.u32 $0xFFFFFFF0, v59  }
0x34: {  	v3 =	vor.u32 v3, v4  }
0x35: {  	v4 =	vperm.xlane v3, v0;
	_ =	sdelay $0x1  }
0x36: {  	v3 =	vperm.xlane v3, v2;
	v4 =	vadd.s32 v1, v4;
	_ =	sdelay $0x1  }
0x37: {  	v3 =	vadd.s32 v1, v3;
	_ =	sdelay $0x2  }
0x38: {  	[tilespmem:s14], [sflag:$0x1] =	stream.indirect_vreg.gather [hbm4b:s3+s2], $0x80, v4, vm0, $0xb8;
	[tilespmem:$0x8080] =	vst v63  }
0x39: {  	_ = 	snop  }
0x3a: {  	[tilespmem:s15], [sflag:$0x1] =	stream.indirect_vreg.gather [hbm4b:s3+s2], $0x80, v3, vm0, $0xb8;
	[tilespmem:$0x8080] =	vst v63  }
0x3b: {  	v3 =	vld [tilespmem:$0x40];
	_ =	sdelay $0x4  }
0x3c: {  	v60 =	vshll.u32 v3, $0x1  }
0x3d: {  	v3 =	vand.u32 $0x7, v3;
	v4 =	vand.u32 $0xFFFFFFF0, v60  }
0x3e: {  	v3 =	vor.u32 v3, v4  }
0x3f: {  	v4 =	vperm.xlane v3, v0;
	_ =	sdelay $0x1  }
0x40: {  	v3 =	vperm.xlane v3, v2;
	v4 =	vadd.s32 v1, v4;
	_ =	sdelay $0x1  }
0x41: {  	v3 =	vadd.s32 v1, v3;
	_ =	sdelay $0x2  }
0x42: {  	[tilespmem:s16], [sflag:$0x1] =	stream.indirect_vreg.gather [hbm4b:s3+s2], $0x80, v4, vm0, $0xb8;
	[tilespmem:$0x8080] =	vst v63  }
0x43: {  	_ = 	snop  }
0x44: {  	[tilespmem:s17], [sflag:$0x1] =	stream.indirect_vreg.gather [hbm4b:s3+s2], $0x80, v3, vm0, $0xb8;
	[tilespmem:$0x8080] =	vst v63  }
0x45: {  	v3 =	vld [tilespmem:$0x50];
	_ =	sdelay $0x4  }
0x46: {  	v61 =	vshll.u32 v3, $0x1  }
0x47: {  	v3 =	vand.u32 $0x7, v3;
	v4 =	vand.u32 $0xFFFFFFF0, v61  }
0x48: {  	v3 =	vor.u32 v3, v4  }
0x49: {  	v4 =	vperm.xlane v3, v0;
	_ =	sdelay $0x1  }
0x4a: {  	v3 =	vperm.xlane v3, v2;
	v4 =	vadd.s32 v1, v4;
	_ =	sdelay $0x1  }
0x4b: {  	v3 =	vadd.s32 v1, v3;
	_ =	sdelay $0x2  }
0x4c: {  	[tilespmem:s18], [sflag:$0x1] =	stream.indirect_vreg.gather [hbm4b:s3+s2], $0x80, v4, vm0, $0xb8;
	[tilespmem:$0x8080] =	vst v63  }
0x4d: {  	_ = 	snop  }
0x4e: {  	[tilespmem:s19], [sflag:$0x1] =	stream.indirect_vreg.gather [hbm4b:s3+s2], $0x80, v3, vm0, $0xb8;
	[tilespmem:$0x8080] =	vst v63  }
0x4f: {  	v3 =	vld [tilespmem:$0x60];
	_ =	sdelay $0x4  }
0x50: {  	v62 =	vshll.u32 v3, $0x1  }
0x51: {  	v3 =	vand.u32 $0x7, v3;
	v4 =	vand.u32 $0xFFFFFFF0, v62  }
0x52: {  	v3 =	vor.u32 v3, v4  }
0x53: {  	v4 =	vperm.xlane v3, v0;
	_ =	sdelay $0x1  }
0x54: {  	v3 =	vperm.xlane v3, v2;
	v4 =	vadd.s32 v1, v4;
	_ =	sdelay $0x1  }
0x55: {  	v3 =	vadd.s32 v1, v3;
	_ =	sdelay $0x2  }
0x56: {  	[tilespmem:s20], [sflag:$0x1] =	stream.indirect_vreg.gather [hbm4b:s3+s2], $0x80, v4, vm0, $0xb8;
	[tilespmem:$0x8080] =	vst v63  }
0x57: {  	_ = 	snop  }
0x58: {  	[tilespmem:s21], [sflag:$0x1] =	stream.indirect_vreg.gather [hbm4b:s3+s2], $0x80, v3, vm0, $0xb8;
	[tilespmem:$0x8080] =	vst v63  }
0x59: {  	v3 =	vld [tilespmem:$0x70];
	_ =	sdelay $0x4  }
0x5a: {  	v63 =	vshll.u32 v3, $0x1  }
0x5b: {  	v3 =	vand.u32 $0x7, v3;
	v4 =	vand.u32 $0xFFFFFFF0, v63  }
0x5c: {  	v3 =	vor.u32 v3, v4  }
0x5d: {  	v4 =	vperm.xlane v3, v0;
	_ =	sdelay $0x1  }
0x5e: {  	v3 =	vperm.xlane v3, v2;
	v4 =	vadd.s32 v1, v4;
	_ =	sdelay $0x1  }
0x5f: {  	v3 =	vadd.s32 v1, v3;
	_ =	sdelay $0x2  }
0x60: {  	[tilespmem:s22], [sflag:$0x1] =	stream.indirect_vreg.gather [hbm4b:s3+s2], $0x80, v4, vm0, $0xb8;
	[tilespmem:$0x8080] =	vst v63  }
0x61: {  	_ = 	snop  }
0x62: {  	[tilespmem:s23], [sflag:$0x1] =	stream.indirect_vreg.gather [hbm4b:s3+s2], $0x80, v3, vm0, $0xb8;
	[tilespmem:$0x8080] =	vst v63  }
0x63: {  	_ =	swait.ge [sflag:s24], $0x8000  }
0x64: {  	p0 =	sne.s32 s6, $0x1;
	[sflag:s24] =	ssyncset.done $0x0  }
.Ltmp0:
0x65: {  	[sflag:s24] =	ssyncadd.s32 $0xFFFF8000;
	(pc) =	sbr.rel @p0 .LBB2_1-.Ltmp0, $4  }
0x66: {  	[hbm4b:s5+s2] =	stream.linear.scatter [tilespmem:s8], [sflag:$0x2], $0x8000, $0x38;
	[tilespmem:$0x8080] =	vst v63  }
0x67: {  	_ =	swait.ge [sflag:s7], $0x8000  }
0x68: {  	[sflag:s7] =	ssyncset.done $0x0  }
0x69: {  	s6 =	sadd.s32 $0xFFFFFFFF, s6;
	[sflag:s7] =	ssyncadd.s32 $0xFFFF8000  }
0x6a: {  	_ =	sfence.sel $0x180000  }
0x6b: {  	[bflag:$0x0] =	sbarrier.arrive $0xFFFF  }
0x6c: {  	p0 =	sne.s32 s1, $0x0;
	_ =	strace $0x9000004A  }
0x6d: {  	s0 =	sadd.s32 @!p0 $0x100000, s0;
	[bflag:$0x2] =	sbarrier.arrive $0xFFFF  }
0x6e: {  	[sflag:s0] =	ssyncadd.tile.s32 @!p0 $0x1;
	_ =	shalt  }
.Lfunc_end2:
_tile_overlayer_lowered:
.L_overlay_start_2:
0x6f: {  	(tag) =	ssettag $0x2  }
0x70: {  	s0 =	rddreg [dreg:$0x0];
	s2 =	stileid.u32  }
0x71: {  	s1 =	rddreg [dreg:$0x1];
	p0 =	sne.s32 s2, $0x0  }
0x72: {  	s3 =	rddreg [dreg:$0x2];
	[bflag:$0x3] =	sbarrier.arrive $0xFFFF;
	s2 =	simm.s32 @!p0 $0x1C02  }
0x73: {  	[timem:s3], [sflag:s2] =	dma.local @!p0 [hbm:s0], s1  }
0x74: {  	s0 =	simm.s32 @!p0 $0x2  }
0x75: {  	_ =	swait.ge @!p0 [sflag:s0], s1  }
0x76: {  	s1 =	ssub.s32 @!p0 $0x0, s1;
	[sflag:s0] =	ssyncset.done @!p0 $0x0  }
0x77: {  	[sflag:s0] =	ssyncadd.s32 @!p0 s1  }
0x78: {  	[bflag:$0x3] =	sbarrier.arrive $0xFFFF  }
0x79: {  	_ =	shalt  }

// kernel: kernel.21.cloned.1.call-start
scs
__scs_entry_jumppad:
0x0: {  	(pc) =	sbr.rel $0x88, $3  }
0x1: {  	(tag) =	ssettag $0x0;
	lr =	simm.s32 $0x1  }
0x2: {  	[smem:$0x3F8E] =	sst lr;
	_ =	strace $0xD0000000  }
0x3: {  	_ = 	snop  }
0x4: {  	_ = 	snop  }
0x5: {  	_ = 	snop  }
0x6: {  	_ = 	snop  }
0x7: {  	_ = 	snop  }
__scs_overlays_trampoline_lowered:
0x8: {  	[smem:$0x3F9D] =	sst s0  }
0x9: {  	[smem:$0x3F9E] =	sst s1  }
0xa: {  	[smem:$0x3F9F] =	sst s2  }
0xb: {  	[smem:$0x3FA0] =	sst s3  }
0xc: {  	[smem:$0x3FA1] =	sst s4  }
0xd: {  	[smem:$0x3FA2] =	sst s5  }
0xe: {  	[smem:$0x3FA3] =	sst s6  }
0xf: {  	[smem:$0x3FA4] =	sst s7  }
0x10: {  	[smem:$0x3FA5] =	sst s8  }
0x11: {  	[smem:$0x3FA6] =	sst s9;
	s0 =	simm.s32 @!p0 $0x0  }
0x12: {  	s1 =	sld [smem:$0x3F8C];
	s0 =	simm.s32 @p0 $0x1  }
0x13: {  	[smem:$0x3FA7] =	sst s0;
	s0 =	simm.s32 @!p1 $0x0  }
0x14: {  	s2 =	sld [smem:$0x3F8B];
	s0 =	simm.s32 @p1 $0x1  }
0x15: {  	[smem:$0x3FA8] =	sst s0;
	s0 =	simm.s32 @!p2 $0x0  }
0x16: {  	s3 =	sld [smem:$0x3FDB];
	s0 =	simm.s32 @p2 $0x1  }
0x17: {  	s4 =	simm.s32 $0x1BF5;
	[smem:$0x3FAA] =	sst s0  }
0x18: {  	s0 =	sld [smem:$0x3F8D];
	_ =	swait.ge [sflag:s4], $0x0  }
0x19: {  	s7 =	sld [smem:$0x3F8E]  }
0x1a: {  	s8 =	sadd.s32 $0xFFFFE003, lr  }
0x1b: {  	s9 =	sadd.s32 $0xFFFFFEF7, lr;
	s5 =	simm.s32 $0xFFFFFFFF;
	p2 =	slt.u32 s8, $0xFFFFF086  }
0x1c: {  	p1 =	slt.u32 s9, $0xF7A;
	s5 =	simm.s32 @!p2 $0x0  }
0x1d: {  	s5 =	simm.s32 @p1 $0x1;
	p0 =	seq.s32 s7, s2  }
0x1e: {  	s7 =	smul.u32 @!p0 $0xF7A, s2;
	p2 =	seq.s32 @!p0 s5, $0x0  }
0x1f: {  	s9 =	smul.u32 $0xF7A, s1;
	s8 =	simm.s32 @!p0 $0x1BF5;
	p2 =	por !p2, p0  }
0x20: {  	[sflag:s8] =	ssyncset.s32 @!p0 $0xFFFFF086;
	s6 =	sadd.s32 @!p0 s3, s7;
	s7 =	simm.s32 @!p0 $0x108  }
0x21: {  	s3 =	sadd.s32 s3, s9;
	s6 =	sadd.s32 @!p0 $0x88, s6;
	s7 =	simm.s32 @p2 $0x1082  }
0x22: {  	[simem:s7], [sflag:s8] =	dma.local @!p0 [hbm:s6], $0xF7A  }
0x23: {  	s9 =	sor.u32 $0xD0000000, s2;
	s6 =	simm.s32 $0x108;
	_ =	swait.ge @!p0 [sflag:s8], $0x0  }
0x24: {  	s3 =	sadd.s32 $0x88, s3;
	s6 =	simm.s32 @!p1 $0x1082;
	[sflag:s4] =	ssyncset.s32 $0xFFFFF086  }
0x25: {  	[simem:s6], [sflag:s4] =	dma.local [hbm:s3], $0xF7A  }
0x26: {  	[smem:$0x3F8E] =	sst s1;
	(tag) =	ssettag s2;
	_ =	strace s9  }
0x27: {  	s1 =	sld [smem:$0x3F9E]  }
0x28: {  	s2 =	sld [smem:$0x3F9F]  }
0x29: {  	s4 =	sld [smem:$0x3FA1]  }
0x2a: {  	p0 =	seq.s32 s5, $0x0;
	s5 =	sld [smem:$0x3FA2]  }
0x2b: {  	s6 =	sld [smem:$0x3FA3]  }
0x2c: {  	s7 =	sld [smem:$0x3FA4]  }
0x2d: {  	s3 =	simm.s32 $0x108;
	s8 =	sld [smem:$0x3FA5]  }
0x2e: {  	s3 =	simm.s32 @!p0 $0x1082;
	s9 =	sld [smem:$0x3FA6]  }
0x2f: {  	lr =	sadd.s32 s0, s3;
	s0 =	sld [smem:$0x3F9D]  }
0x30: {  	s3 =	sld [smem:$0x3FA0]  }
0x31: {  	[smem:$0x3FA9] =	sst s10  }
0x32: {  	s10 =	sld [smem:$0x3FA7];
	_ =	sdelay $0x3  }
0x33: {  	p0 =	seq.s32 s10, $0x1;
	s10 =	sld [smem:$0x3FA9];
	_ =	sdelay $0x3  }
0x34: {  	[smem:$0x3FA9] =	sst s10  }
0x35: {  	s10 =	sld [smem:$0x3FA8];
	_ =	sdelay $0x3  }
0x36: {  	p1 =	seq.s32 s10, $0x1;
	s10 =	sld [smem:$0x3FA9];
	_ =	sdelay $0x3  }
0x37: {  	[smem:$0x3FA9] =	sst s10  }
0x38: {  	s10 =	sld [smem:$0x3FAA]  }
0x39: {  	_ = 	snop;
	(pc) =	sbr.ind lr, $3  }
0x3a: {  	_ = 	snop  }
0x3b: {  	_ = 	snop  }
0x3c: {  	p2 =	seq.s32 s10, $0x1;
	s10 =	sld [smem:$0x3FA9]  }
0x3d: {  	_ =	shalt  }
0x3e: {  	_ =	shalt  }
0x3f: {  	_ =	shalt  }
0x40: {  	_ =	shalt  }
0x41: {  	_ =	shalt  }
0x42: {  	_ =	shalt  }
0x43: {  	_ =	shalt  }
0x44: {  	_ =	shalt  }
0x45: {  	_ =	shalt  }
0x46: {  	_ =	shalt  }
0x47: {  	_ =	shalt  }
0x48: {  	_ =	shalt  }
0x49: {  	_ =	shalt  }
0x4a: {  	_ =	shalt  }
0x4b: {  	_ =	shalt  }
0x4c: {  	_ =	shalt  }
0x4d: {  	_ =	shalt  }
0x4e: {  	_ =	shalt  }
0x4f: {  	_ =	shalt  }
0x50: {  	_ =	shalt  }
0x51: {  	_ =	shalt  }
0x52: {  	_ =	shalt  }
0x53: {  	_ =	shalt  }
0x54: {  	_ =	shalt  }
0x55: {  	_ =	shalt  }
0x56: {  	_ =	shalt  }
0x57: {  	_ =	shalt  }
0x58: {  	_ =	shalt  }
0x59: {  	_ =	shalt  }
0x5a: {  	_ =	shalt  }
0x5b: {  	_ =	shalt  }
0x5c: {  	_ =	shalt  }
0x5d: {  	_ =	shalt  }
0x5e: {  	_ =	shalt  }
0x5f: {  	_ =	shalt  }
0x60: {  	_ =	shalt  }
0x61: {  	_ =	shalt  }
0x62: {  	_ =	shalt  }
0x63: {  	_ =	shalt  }
0x64: {  	_ =	shalt  }
0x65: {  	_ =	shalt  }
0x66: {  	_ =	shalt  }
0x67: {  	_ =	shalt  }
0x68: {  	_ =	shalt  }
0x69: {  	_ =	shalt  }
0x6a: {  	_ =	shalt  }
0x6b: {  	_ =	shalt  }
0x6c: {  	_ =	shalt  }
0x6d: {  	_ =	shalt  }
0x6e: {  	_ =	shalt  }
0x6f: {  	_ =	shalt  }
0x70: {  	_ =	shalt  }
0x71: {  	_ =	shalt  }
0x72: {  	_ =	shalt  }
0x73: {  	_ =	shalt  }
0x74: {  	_ =	shalt  }
0x75: {  	_ =	shalt  }
0x76: {  	_ =	shalt  }
0x77: {  	_ =	shalt  }
0x78: {  	_ =	shalt  }
0x79: {  	_ =	shalt  }
0x7a: {  	_ =	shalt  }
0x7b: {  	_ =	shalt  }
0x7c: {  	_ =	shalt  }
0x7d: {  	_ =	shalt  }
0x7e: {  	_ =	shalt  }
0x7f: {  	_ =	shalt  }
0x80: {  	_ =	shalt  }
0x81: {  	_ =	shalt  }
0x82: {  	_ =	shalt  }
0x83: {  	_ =	shalt  }
0x84: {  	_ =	shalt  }
0x85: {  	_ =	shalt  }
0x86: {  	_ =	shalt  }
0x87: {  	_ =	shalt  }
.Lfunc_end0:
.L_simem_size_0:
called_computation.2_lowered:
.L_overlay_start_0:
0x88: {  	s2 =	sld [smem:$0x3FD9]  }
0x89: {  	s3 =	sld [smem:$0x3FFE];
	_ =	sdelay $0x1  }
0x8a: {  	s1 =	srdreg.scid  }
0x8b: {  	s0 =	sand.u32 $0x1, s1  }
0x8c: {  	s16 =	sshll.u32 s0, $0xA;
	s2 =	sadd.s32 s3, s2  }
0x8d: {  	s2 =	sadd.s32 s2, s16  }
0x8e: {  	[smem:$0x3FB5] =	sst s2  }
0x8f: {  	_ = 	snop  }
0x90: {  	(tm) =	ssettm $0x1  }
0x91: {  	s17 =	sld [smem:$0x3FFB];
	_ =	sdelay $0x3  }
0x92: {  	_ =	strace s17  }
0x93: {  	s2 =	sld [smem:$0x3FFC];
	_ =	sdelay $0x3  }
0x94: {  	_ =	strace s2  }
0x95: {  	s2 =	sld [smem:$0x3FFD];
	_ =	sdelay $0x3  }
0x96: {  	_ =	strace s2  }
0x97: {  	_ =	strace $0x8FFFFFFF  }
0x98: {  	s18 =	sld [smem:$0x3FDB];
	_ =	sdelay $0x1  }
0x99: {  	s19 =	simm.s32 $_scs_section_size  }
0x9a: {  	s4 =	simm.s32 $_size__tile_overlayer_lowered;
	s5 =	simm.s32 $_tile_overlayer_lowered  }
0x9b: {  	s22 =	simm.s32 $0x1BFF;
	s21 =	sshll.u32 s5, $0x1;
	s2 =	sadd.s32 s19, s18  }
0x9c: {  	s6 =	simm.s32 $0x0;
	s20 =	sshll.u32 s4, $0x1;
	s4 =	sadd.s32 s21, s2  }
0x9d: {  	[timem:s6], [sflag:s22] =	dma.local [hbm:s4], s20  }
0x9e: {  	_ =	swait.ge [sflag:s22], s20  }
0x9f: {  	s3 =	ssub.s32 $0x0, s20;
	[sflag:s22] =	ssyncset.done $0x0  }
0xa0: {  	[sflag:s22] =	ssyncadd.s32 s3;
	_ =	sdelay $0x1  }
0xa1: {  	s23 =	simm.s32 $0x1B8B  }
0xa2: {  	_ =	swait.ge [sflag:s23], $0x1  }
0xa3: {  	[sflag:s23] =	ssyncset.done $0x0  }
0xa4: {  	s25 =	simm.s32 $0x1B8E;
	s24 =	sld [smem:$0x3FFE];
	[sflag:s23] =	ssyncadd.s32 $0xFFFFFFFF  }
0xa5: {  	s26 =	simm.s32 $execute0_lowered;
	[smem:$0x3FD2] =	sst s25  }
0xa6: {  	s4 =	sshll.u32 s26, $0x1;
	_ =	strace $0x8000004C;
	[dreg:$0x1] =	wrdreg $0xFFFFFFFF  }
0xa7: {  	s28 =	simm.s32 $_size_execute0_lowered;
	s2 =	sadd.s32 s2, s4;
	[dreg:$0x0] =	wrdreg $0x0  }
0xa8: {  	s4 =	sshll.u32 s28, $0x1;
	[dreg:$0x2] =	wrdreg s2  }
0xa9: {  	[dreg:$0x3] =	wrdreg s4  }
0xaa: {  	[dreg:$0x4] =	wrdreg $0xC0  }
0xab: {  	_ =	task [dreg:s6], $0x5FFFF  }
0xac: {  	[dreg:$0x1] =	wrdreg $0xFFFFFFFF  }
0xad: {  	[dreg:$0x0] =	wrdreg $0x60  }
0xae: {  	[dreg:$0x2] =	wrdreg s24  }
0xaf: {  	[dreg:$0x3] =	wrdreg $0x9  }
0xb0: {  	_ =	task.clear_ibuf [dreg:s6], $0x4FFFF;
	_ =	strace $0x9000004C  }
0xb1: {  	s29 =	simm.s32 $0x9;
	_ =	strace $0x8000004E  }
0xb2: {  	_ =	swait.ge [sflag:s29], $0x1  }
0xb3: {  	[sflag:s29] =	ssyncadd.s32 $0xFFFFFFFF  }
0xb4: {  	_ =	strace $0x9000004E  }
0xb5: {  	_ =	sfence  }
0xb6: {  	s30 =	sld [smem:$0x0];
	_ =	sdelay $0x2  }
0xb7: {  	s31 =	sshll.u32 s1, $0xD;
	s1 =	sshrl.u32 s1, $0x2  }
0xb8: {  	s3 =	sand.u32 $0x4000, s31;
	s1 =	sadd.s32 s1, s30  }
0xb9: {  	s0 =	sor.u32 s3, s0;
	s1 =	sshll.u32 s1, $0x11  }
0xba: {  	s0 =	sor.u32 s1, s0  }
0xbb: {  	s0 =	sadd.s32 $0x8F2B, s0  }
0xbc: {  	[sflag:s0] =	ssyncadd.remote.s32 $0x1  }
0xbd: {  	_ =	sfence.sel $0xFFFF  }
0xbe: {  	[dreg:$0x0] =	wrdreg $0xFFFFFFFF;
	(pc) =	sbr.abs _section_cstart, $3  }
0xbf: {  	[dreg:$0x1] =	wrdreg $0xFFFFFFFF  }
0xc0: {  	_ =	task.clear_ibuf [dreg:s6], $0x2FFFF;
	_ =	strace $0x9FFFFFFF  }
0xc1: {  	(tm) =	ssettm $0x7FFFFFFF  }
tec
execute0_lowered:
.L_overlay_start_1:
0x0: {  	(tag) =	ssettag $0x1  }
0x1: {  	s4 =	rddreg [dreg:$0x0]  }
0x2: {  	s0 =	rddreg [dreg:$0x1];
	s2 =	simm.s32 $0x0;
	s3 =	srdreg.scid  }
0x3: {  	s1 =	stileid.u32;
	s9 =	simm.s32 $0x880;
	s10 =	simm.s32 $0x1080  }
0x4: {  	s11 =	simm.s32 $0x1880;
	s12 =	simm.s32 $0x2080;
	s13 =	simm.s32 $0x2880  }
0x5: {  	s14 =	simm.s32 $0x3080;
	s15 =	simm.s32 $0x3880;
	s16 =	simm.s32 $0x4080  }
0x6: {  	s17 =	simm.s32 $0x4880;
	s18 =	simm.s32 $0x5080;
	s19 =	simm.s32 $0x5880  }
0x7: {  	s20 =	simm.s32 $0x6080;
	s21 =	simm.s32 $0x6880;
	s22 =	simm.s32 $0x7080  }
0x8: {  	s23 =	simm.s32 $0x7880;
	s24 =	simm.s32 $0x1;
	s5 =	sand.u32 $0x1, s3  }
0x9: {  	[smem:$0x7FF] =	sst s2;
	s6 =	sshll.u32 s1, $0x8;
	s7 =	sshll.u32 s5, $0x7  }
0xa: {  	s3 =	sadd.s32 $0x4C00, s4;
	_ =	strace $0x8000004D;
	s6 =	sor.u32 s7, s6  }
0xb: {  	s5 =	ssub.s32 $0x2, s5;
	s7 =	sshrl.u32 s6, $0x3;
	s6 =	sshll.u32 s6, $0x5  }
0xc: {  	v2 =	vlaneseq.u32;
	s8 =	sshrl.u32 s5, $0x1;
	s7 =	sadd.s32 s7, s4;
	s6 =	sadd.s32 s6, s4  }
0xd: {  	vm0 =	vmmov $0xffff;
	v1 =	vshrl.u32 v2, $0x3;
	s8 =	ssub.s32 s5, s8;
	s4 =	sadd.s32 $0x64E00, s7;
	s5 =	sadd.s32 $0x65000, s6  }
0xe: {  	v0 =	vand.u32 $0x7, v2;
	v2 =	vor.u32 $0x8, v2;
	v1 =	vmul.u32 $0x8, v1;
	s6 =	smax.u32 s8, $0x1;
	s7 =	simm.s32 $0x2;
	s8 =	simm.s32 $0x80  }
.LBB2_1:
0xf: {  	[tilespmem:s2], [sflag:$0x2] =	stream.linear.gather [hbm4b:s4+s2], $0x80, $0x38;
	[tilespmem:$0x8080] =	vst v63  }
0x10: {  	_ =	swait.ge [sflag:s7], $0x80  }
0x11: {  	[sflag:s7] =	ssyncset.done $0x0  }
0x12: {  	[sflag:s7] =	ssyncadd.s32 $0xFFFFFF80  }
0x13: {  	v3 =	vld [tilespmem:$0x0];
	_ =	sdelay $0x4  }
0x14: {  	v4 =	vshll.u32 v3, $0x1  }
0x15: {  	v3 =	vand.u32 $0x7, v3;
	v4 =	vand.u32 $0xFFFFFFF0, v4  }
0x16: {  	v3 =	vor.u32 v3, v4  }
0x17: {  	v4 =	vperm.xlane v3, v0;
	_ =	sdelay $0x1  }
0x18: {  	v3 =	vperm.xlane v3, v2;
	v4 =	vadd.s32 v1, v4;
	_ =	sdelay $0x1  }
0x19: {  	v3 =	vadd.s32 v1, v3;
	_ =	sdelay $0x2  }
0x1a: {  	[tilespmem:s8], [sflag:$0x1] =	stream.indirect_vreg.gather [hbm4b:s3+s2], $0x80, v4, vm0, $0xb8;
	[tilespmem:$0x8080] =	vst v63  }
0x1b: {  	_ = 	snop  }
0x1c: {  	[tilespmem:s9], [sflag:$0x1] =	stream.indirect_vreg.gather [hbm4b:s3+s2], $0x80, v3, vm0, $0xb8;
	[tilespmem:$0x8080] =	vst v63  }
0x1d: {  	v3 =	vld [tilespmem:$0x10];
	_ =	sdelay $0x4  }
0x1e: {  	v57 =	vshll.u32 v3, $0x1  }
0x1f: {  	v3 =	vand.u32 $0x7, v3;
	v4 =	vand.u32 $0xFFFFFFF0, v57  }
0x20: {  	v3 =	vor.u32 v3, v4  }
0x21: {  	v4 =	vperm.xlane v3, v0;
	_ =	sdelay $0x1  }
0x22: {  	v3 =	vperm.xlane v3, v2;
	v4 =	vadd.s32 v1, v4;
	_ =	sdelay $0x1  }
0x23: {  	v3 =	vadd.s32 v1, v3;
	_ =	sdelay $0x2  }
0x24: {  	[tilespmem:s10], [sflag:$0x1] =	stream.indirect_vreg.gather [hbm4b:s3+s2], $0x80, v4, vm0, $0xb8;
	[tilespmem:$0x8080] =	vst v63  }
0x25: {  	_ = 	snop  }
0x26: {  	[tilespmem:s11], [sflag:$0x1] =	stream.indirect_vreg.gather [hbm4b:s3+s2], $0x80, v3, vm0, $0xb8;
	[tilespmem:$0x8080] =	vst v63  }
0x27: {  	v3 =	vld [tilespmem:$0x20];
	_ =	sdelay $0x4  }
0x28: {  	v58 =	vshll.u32 v3, $0x1  }
0x29: {  	v3 =	vand.u32 $0x7, v3;
	v4 =	vand.u32 $0xFFFFFFF0, v58  }
0x2a: {  	v3 =	vor.u32 v3, v4  }
0x2b: {  	v4 =	vperm.xlane v3, v0;
	_ =	sdelay $0x1  }
0x2c: {  	v3 =	vperm.xlane v3, v2;
	v4 =	vadd.s32 v1, v4;
	_ =	sdelay $0x1  }
0x2d: {  	v3 =	vadd.s32 v1, v3;
	_ =	sdelay $0x2  }
0x2e: {  	[tilespmem:s12], [sflag:$0x1] =	stream.indirect_vreg.gather [hbm4b:s3+s2], $0x80, v4, vm0, $0xb8;
	[tilespmem:$0x8080] =	vst v63  }
0x2f: {  	_ = 	snop  }
0x30: {  	[tilespmem:s13], [sflag:$0x1] =	stream.indirect_vreg.gather [hbm4b:s3+s2], $0x80, v3, vm0, $0xb8;
	[tilespmem:$0x8080] =	vst v63  }
0x31: {  	v3 =	vld [tilespmem:$0x30];
	_ =	sdelay $0x4  }
0x32: {  	v59 =	vshll.u32 v3, $0x1  }
0x33: {  	v3 =	vand.u32 $0x7, v3;
	v4 =	vand.u32 $0xFFFFFFF0, v59  }
0x34: {  	v3 =	vor.u32 v3, v4  }
0x35: {  	v4 =	vperm.xlane v3, v0;
	_ =	sdelay $0x1  }
0x36: {  	v3 =	vperm.xlane v3, v2;
	v4 =	vadd.s32 v1, v4;
	_ =	sdelay $0x1  }
0x37: {  	v3 =	vadd.s32 v1, v3;
	_ =	sdelay $0x2  }
0x38: {  	[tilespmem:s14], [sflag:$0x1] =	stream.indirect_vreg.gather [hbm4b:s3+s2], $0x80, v4, vm0, $0xb8;
	[tilespmem:$0x8080] =	vst v63  }
0x39: {  	_ = 	snop  }
0x3a: {  	[tilespmem:s15], [sflag:$0x1] =	stream.indirect_vreg.gather [hbm4b:s3+s2], $0x80, v3, vm0, $0xb8;
	[tilespmem:$0x8080] =	vst v63  }
0x3b: {  	v3 =	vld [tilespmem:$0x40];
	_ =	sdelay $0x4  }
0x3c: {  	v60 =	vshll.u32 v3, $0x1  }
0x3d: {  	v3 =	vand.u32 $0x7, v3;
	v4 =	vand.u32 $0xFFFFFFF0, v60  }
0x3e: {  	v3 =	vor.u32 v3, v4  }
0x3f: {  	v4 =	vperm.xlane v3, v0;
	_ =	sdelay $0x1  }
0x40: {  	v3 =	vperm.xlane v3, v2;
	v4 =	vadd.s32 v1, v4;
	_ =	sdelay $0x1  }
0x41: {  	v3 =	vadd.s32 v1, v3;
	_ =	sdelay $0x2  }
0x42: {  	[tilespmem:s16], [sflag:$0x1] =	stream.indirect_vreg.gather [hbm4b:s3+s2], $0x80, v4, vm0, $0xb8;
	[tilespmem:$0x8080] =	vst v63  }
0x43: {  	_ = 	snop  }
0x44: {  	[tilespmem:s17], [sflag:$0x1] =	stream.indirect_vreg.gather [hbm4b:s3+s2], $0x80, v3, vm0, $0xb8;
	[tilespmem:$0x8080] =	vst v63  }
0x45: {  	v3 =	vld [tilespmem:$0x50];
	_ =	sdelay $0x4  }
0x46: {  	v61 =	vshll.u32 v3, $0x1  }
0x47: {  	v3 =	vand.u32 $0x7, v3;
	v4 =	vand.u32 $0xFFFFFFF0, v61  }
0x48: {  	v3 =	vor.u32 v3, v4  }
0x49: {  	v4 =	vperm.xlane v3, v0;
	_ =	sdelay $0x1  }
0x4a: {  	v3 =	vperm.xlane v3, v2;
	v4 =	vadd.s32 v1, v4;
	_ =	sdelay $0x1  }
0x4b: {  	v3 =	vadd.s32 v1, v3;
	_ =	sdelay $0x2  }
0x4c: {  	[tilespmem:s18], [sflag:$0x1] =	stream.indirect_vreg.gather [hbm4b:s3+s2], $0x80, v4, vm0, $0xb8;
	[tilespmem:$0x8080] =	vst v63  }
0x4d: {  	_ = 	snop  }
0x4e: {  	[tilespmem:s19], [sflag:$0x1] =	stream.indirect_vreg.gather [hbm4b:s3+s2], $0x80, v3, vm0, $0xb8;
	[tilespmem:$0x8080] =	vst v63  }
0x4f: {  	v3 =	vld [tilespmem:$0x60];
	_ =	sdelay $0x4  }
0x50: {  	v62 =	vshll.u32 v3, $0x1  }
0x51: {  	v3 =	vand.u32 $0x7, v3;
	v4 =	vand.u32 $0xFFFFFFF0, v62  }
0x52: {  	v3 =	vor.u32 v3, v4  }
0x53: {  	v4 =	vperm.xlane v3, v0;
	_ =	sdelay $0x1  }
0x54: {  	v3 =	vperm.xlane v3, v2;
	v4 =	vadd.s32 v1, v4;
	_ =	sdelay $0x1  }
0x55: {  	v3 =	vadd.s32 v1, v3;
	_ =	sdelay $0x2  }
0x56: {  	[tilespmem:s20], [sflag:$0x1] =	stream.indirect_vreg.gather [hbm4b:s3+s2], $0x80, v4, vm0, $0xb8;
	[tilespmem:$0x8080] =	vst v63  }
0x57: {  	_ = 	snop  }
0x58: {  	[tilespmem:s21], [sflag:$0x1] =	stream.indirect_vreg.gather [hbm4b:s3+s2], $0x80, v3, vm0, $0xb8;
	[tilespmem:$0x8080] =	vst v63  }
0x59: {  	v3 =	vld [tilespmem:$0x70];
	_ =	sdelay $0x4  }
0x5a: {  	v63 =	vshll.u32 v3, $0x1  }
0x5b: {  	v3 =	vand.u32 $0x7, v3;
	v4 =	vand.u32 $0xFFFFFFF0, v63  }
0x5c: {  	v3 =	vor.u32 v3, v4  }
0x5d: {  	v4 =	vperm.xlane v3, v0;
	_ =	sdelay $0x1  }
0x5e: {  	v3 =	vperm.xlane v3, v2;
	v4 =	vadd.s32 v1, v4;
	_ =	sdelay $0x1  }
0x5f: {  	v3 =	vadd.s32 v1, v3;
	_ =	sdelay $0x2  }
0x60: {  	[tilespmem:s22], [sflag:$0x1] =	stream.indirect_vreg.gather [hbm4b:s3+s2], $0x80, v4, vm0, $0xb8;
	[tilespmem:$0x8080] =	vst v63  }
0x61: {  	_ = 	snop  }
0x62: {  	[tilespmem:s23], [sflag:$0x1] =	stream.indirect_vreg.gather [hbm4b:s3+s2], $0x80, v3, vm0, $0xb8;
	[tilespmem:$0x8080] =	vst v63  }
0x63: {  	_ =	swait.ge [sflag:s24], $0x8000  }
0x64: {  	p0 =	sne.s32 s6, $0x1;
	[sflag:s24] =	ssyncset.done $0x0  }
.Ltmp0:
0x65: {  	[sflag:s24] =	ssyncadd.s32 $0xFFFF8000;
	(pc) =	sbr.rel @p0 .LBB2_1-.Ltmp0, $4  }
0x66: {  	[hbm4b:s5+s2] =	stream.linear.scatter [tilespmem:s8], [sflag:$0x2], $0x8000, $0x38;
	[tilespmem:$0x8080] =	vst v63  }
0x67: {  	_ =	swait.ge [sflag:s7], $0x8000  }
0x68: {  	[sflag:s7] =	ssyncset.done $0x0  }
0x69: {  	s6 =	sadd.s32 $0xFFFFFFFF, s6;
	[sflag:s7] =	ssyncadd.s32 $0xFFFF8000  }
0x6a: {  	_ =	sfence.sel $0x180000  }
0x6b: {  	[bflag:$0x0] =	sbarrier.arrive $0xFFFF  }
0x6c: {  	p0 =	sne.s32 s1, $0x0;
	_ =	strace $0x9000004D  }
0x6d: {  	s0 =	sadd.s32 @!p0 $0x100000, s0;
	[bflag:$0x2] =	sbarrier.arrive $0xFFFF  }
0x6e: {  	[sflag:s0] =	ssyncadd.tile.s32 @!p0 $0x1;
	_ =	shalt  }
.Lfunc_end2:
_tile_overlayer_lowered:
.L_overlay_start_2:
0x6f: {  	(tag) =	ssettag $0x2  }
0x70: {  	s0 =	rddreg [dreg:$0x0];
	s2 =	stileid.u32  }
0x71: {  	s1 =	rddreg [dreg:$0x1];
	p0 =	sne.s32 s2, $0x0  }
0x72: {  	s3 =	rddreg [dreg:$0x2];
	[bflag:$0x3] =	sbarrier.arrive $0xFFFF;
	s2 =	simm.s32 @!p0 $0x1C02  }
0x73: {  	[timem:s3], [sflag:s2] =	dma.local @!p0 [hbm:s0], s1  }
0x74: {  	s0 =	simm.s32 @!p0 $0x2  }
0x75: {  	_ =	swait.ge @!p0 [sflag:s0], s1  }
0x76: {  	s1 =	ssub.s32 @!p0 $0x0, s1;
	[sflag:s0] =	ssyncset.done @!p0 $0x0  }
0x77: {  	[sflag:s0] =	ssyncadd.s32 @!p0 s1  }
0x78: {  	[bflag:$0x3] =	sbarrier.arrive $0xFFFF  }
0x79: {  	_ =	shalt  }

</sc_bundles>
